<compile_context>
chip_gen: v7x
topology: tpu7x:2x2x1
jax: 0.10.2.dev20260603
libtpu: 0.0.44.dev20260713+nightly
codegen_flags: <defaults>
</compile_context>

<pallas_src>
import functools

import jax
import jax.numpy as jnp
from jax import lax
from jax.experimental import pallas as pl
from jax.experimental.pallas import tpu as pltpu
from jax.experimental.pallas import tpu_sc as plsc

N = 10000
E = 320000
D = 128
H = 32
G = 64
C = 2

W = 48
NCORES = 2
NSUB = 16
NTILES = NCORES * NSUB
KC = 128
GS = 3
NCHUNKS_TOT = E // KC
NCHUNK = NCHUNKS_TOT // NTILES
NEXTRA = NCHUNKS_TOT - NCHUNK * NTILES
NG = NCHUNK // GS
NG2 = NG // 2
RPT = 640
NPAD = NSUB * RPT
GROWS = GS * KC

_HIGH = lax.Precision.HIGHEST



def _proj1_body(x_ref, w_ref, ya_ref):
    yl = lax.dot_general(x_ref[...], w_ref[...], (((1,), (0,)), ((), ())),
                         preferred_element_type=jnp.float32, precision=_HIGH)
    ya_ref[...] = jnp.concatenate(
        [yl, jnp.ones((N, 1), jnp.float32),
         jnp.zeros((N, W - H - 1), jnp.float32)], axis=1)


def _proj2_body(x_ref, w_ref, yrt_ref):
    yrt_ref[...] = lax.dot_general(w_ref[...], x_ref[...],
                                   (((0,), (1,)), ((), ())),
                                   preferred_element_type=jnp.float32,
                                   precision=_HIGH)


def _project1(x, w_l):
    return pl.pallas_call(
        _proj1_body,
        out_shape=[jax.ShapeDtypeStruct((N, W), jnp.float32)],
    )(x, w_l)


def _project2(x, w_r):
    return pl.pallas_call(
        _proj2_body,
        out_shape=[jax.ShapeDtypeStruct((H, N), jnp.float32)],
    )(x, w_r)



def _sc_agg_body(ya_hbm, ei_hbm, acc_hbm,
                 src_v, dst_v, rows_a, rows_b, acc,
                 sem_ga, sem_gb, sem_za, sem_zb):
    cid = lax.axis_index("c")
    sid = lax.axis_index("s")
    wid = cid * NSUB + sid
    rbase = sid * RPT
    cbase = wid * NCHUNK

    def _gathers(g, buf, sem):
        return [pltpu.make_async_copy(
            ya_hbm.at[src_v.at[g * GS + b]],
            buf.at[pl.ds(b * KC, KC)], sem) for b in range(GS)]

    def _scatters(g, buf, sem):
        return [pltpu.make_async_copy(
            buf.at[pl.ds(b * KC, KC)],
            acc.at[dst_v.at[g * GS + b]], sem) for b in range(GS)]

    zero16 = jnp.zeros((16,), jnp.float32)

    def _zero_row(i, carry):
        for c in range(W // 16):
            rows_a[i, pl.ds(c * 16, 16)] = zero16
        return carry

    lax.fori_loop(0, GROWS, _zero_row, 0)
    pltpu.sync_copy(rows_a, acc.at[pl.ds(rbase, GROWS)])
    pltpu.sync_copy(rows_a.at[pl.ds(0, RPT - GROWS)],
                    acc.at[pl.ds(rbase + GROWS, RPT - GROWS)])

    pltpu.sync_copy(ei_hbm.at[0, pl.ds(cbase, NCHUNK)],
                    src_v.at[pl.ds(0, NCHUNK)])
    pltpu.sync_copy(ei_hbm.at[1, pl.ds(cbase, NCHUNK)],
                    dst_v.at[pl.ds(0, NCHUNK)])

    @pl.when(wid < NEXTRA)
    def _():
        pltpu.sync_copy(ei_hbm.at[0, pl.ds(NTILES * NCHUNK + wid, 1)],
                        src_v.at[pl.ds(NCHUNK, 1)])
        pltpu.sync_copy(ei_hbm.at[1, pl.ds(NTILES * NCHUNK + wid, 1)],
                        dst_v.at[pl.ds(NCHUNK, 1)])
    plsc.subcore_barrier()

    for d in _gathers(0, rows_a, sem_ga):
        d.start()

    def _pair(i, carry):
        ga = 2 * i
        gb = 2 * i + 1

        @pl.when(i > 0)
        def _():
            for d in _scatters(gb - 2, rows_b, sem_zb):
                d.wait()

        for d in _gathers(gb, rows_b, sem_gb):
            d.start()
        for d in _gathers(ga, rows_a, sem_ga):
            d.wait()
        for d in _scatters(ga, rows_a, sem_za):
            d.start(add=True)
        for d in _scatters(ga, rows_a, sem_za):
            d.wait()

        @pl.when(i < NG2 - 1)
        def _():
            for d in _gathers(ga + 2, rows_a, sem_ga):
                d.start()

        for d in _gathers(gb, rows_b, sem_gb):
            d.wait()
        for d in _scatters(gb, rows_b, sem_zb):
            d.start(add=True)
        return carry

    lax.fori_loop(0, NG2, _pair, 0)
    for d in _scatters(NG - 1, rows_b, sem_zb):
        d.wait()

    @pl.when(wid < NEXTRA)
    def _():
        pltpu.async_copy(ya_hbm.at[src_v.at[NCHUNK]],
                         rows_a.at[pl.ds(0, KC)], sem_ga).wait()
        d = pltpu.make_async_copy(rows_a.at[pl.ds(0, KC)],
                                  acc.at[dst_v.at[NCHUNK]], sem_za)
        d.start(add=True)
        d.wait()

    plsc.subcore_barrier()

    pltpu.sync_copy(acc.at[pl.ds(rbase, GROWS)], rows_a)
    pltpu.sync_copy(rows_a, acc_hbm.at[cid, pl.ds(rbase, GROWS)])
    pltpu.sync_copy(acc.at[pl.ds(rbase + GROWS, RPT - GROWS)],
                    rows_b.at[pl.ds(0, RPT - GROWS)])
    pltpu.sync_copy(rows_b.at[pl.ds(0, RPT - GROWS)],
                    acc_hbm.at[cid, pl.ds(rbase + GROWS, RPT - GROWS)])


@functools.cache
def _sc_agg():
    mesh = plsc.VectorSubcoreMesh(core_axis_name="c", subcore_axis_name="s")
    return pl.kernel(
        _sc_agg_body,
        mesh=mesh,
        compiler_params=pltpu.CompilerParams(use_tc_tiling_on_sc=False),
        out_type=[jax.ShapeDtypeStruct((NCORES, NPAD, W), jnp.float32)],
        scratch_types=[
            pltpu.VMEM((NCHUNK + 1, KC), jnp.int32),
            pltpu.VMEM((NCHUNK + 1, KC), jnp.int32),
            pltpu.VMEM((GROWS, W), jnp.float32),
            pltpu.VMEM((GROWS, W), jnp.float32),
            pltpu.VMEM_SHARED((NPAD, W), jnp.float32),
            pltpu.SemaphoreType.DMA,
            pltpu.SemaphoreType.DMA,
            pltpu.SemaphoreType.DMA,
            pltpu.SemaphoreType.DMA,
        ],
    )



def _head_body(apt_ref, yrt_ref, batch_ref, bl_ref, ga_ref, be_ref,
               w1_ref, b1_ref, w2_ref, b2_ref, wa_ref, ba_ref,
               out_ref, an_ref):
    at = jnp.transpose(apt_ref[0] + apt_ref[1], (1, 0))
    z = at[:H, :N]
    cnt = at[H:H + 1, :N]
    h = z / jnp.maximum(cnt, 1.0) + yrt_ref[...] + bl_ref[...]
    mean = jnp.mean(h, axis=1, keepdims=True)
    var = jnp.mean((h - mean) ** 2, axis=1, keepdims=True)
    hn = (h - mean) * lax.rsqrt(var + 1e-5) * ga_ref[...] + be_ref[...]
    hr = jnp.maximum(hn, 0.0)

    gid = lax.broadcasted_iota(jnp.int32, (N, G), 1)
    p = (batch_ref[...] == gid).astype(jnp.float32)
    psum = lax.dot_general(hr, p, (((1,), (0,)), ((), ())),
                           preferred_element_type=jnp.float32)
    gcnt = lax.dot_general(jnp.ones((1, N), jnp.float32), p,
                           (((1,), (0,)), ((), ())),
                           preferred_element_type=jnp.float32)
    pooled = psum / jnp.maximum(gcnt, 1.0)

    hid = jnp.maximum(
        lax.dot_general(w1_ref[...], pooled, (((0,), (0,)), ((), ())),
                        preferred_element_type=jnp.float32, precision=_HIGH)
        + b1_ref[...], 0.0)
    out_ref[...] = lax.dot_general(hid, w2_ref[...], (((0,), (0,)), ((), ())),
                                   preferred_element_type=jnp.float32,
                                   precision=_HIGH) + b2_ref[...]
    sa = lax.dot_general(pooled, wa_ref[...], (((0,), (0,)), ((), ())),
                         preferred_element_type=jnp.float32,
                         precision=_HIGH) + ba_ref[...]
    an_ref[...] = 1.0 / (1.0 + jnp.exp(-sa))


def _heads(apt, yrt, batch2, b_l, gamma, beta, W1, b1, W2, b2, Wa, ba):
    return pl.pallas_call(
        _head_body,
        out_shape=[jax.ShapeDtypeStruct((G, C), jnp.float32),
                   jax.ShapeDtypeStruct((G, 1), jnp.float32)],
    )(apt, yrt, batch2, b_l, gamma, beta, W1, b1, W2, b2, Wa, ba)



def kernel(x, edge_index, batch, W_l, b_l, W_r, gamma, beta,
           W1, b1, W2, b2, Wa, ba):
    (ya,) = _project1(x, W_l)
    (yrt,) = _project2(x, W_r)

    ei = edge_index.reshape(2, NCHUNKS_TOT, KC)

    (ap,) = _sc_agg()(ya, ei)

    out, an = _heads(
        ap, yrt, batch.reshape(N, 1),
        b_l.reshape(H, 1), gamma.reshape(H, 1), beta.reshape(H, 1),
        W1, b1.reshape(16, 1), W2, b2.reshape(1, C), Wa, ba.reshape(1, 1))
    return (out, an)

# --- scband reference (transcript-rebuilt; emitter-appended) ---
"""Pipeline reference for scband-lightweight-gnn-55405078119387 (READ-ONLY COPY).

The authoritative reference and input builder live on the scoring server;
editing this copy changes nothing except your own understanding.
"""

import jax, jax.numpy as jnp
import numpy as np

N = 10000
E = 320000
D = 128
H = 32
G = 64
C = 2


def setup_inputs(seed: int = 0) -> dict:
    key = jax.random.key(seed)
    ks = jax.random.split(key, 14)
    x = jax.random.normal(ks[0], (N, D), dtype=jnp.float32)
    edge_index = jax.random.randint(ks[1], (2, E), 0, N, dtype=jnp.int32)
    batch = jnp.sort(jax.random.randint(ks[2], (N,), 0, G, dtype=jnp.int32))
    s = 1.0 / np.sqrt(D)
    W_l = jax.random.uniform(ks[3], (D, H), dtype=jnp.float32, minval=-s, maxval=s)
    b_l = jnp.zeros((H,), dtype=jnp.float32)
    W_r = jax.random.uniform(ks[4], (D, H), dtype=jnp.float32, minval=-s, maxval=s)
    gamma = jnp.ones((H,), dtype=jnp.float32)
    beta = jnp.zeros((H,), dtype=jnp.float32)
    s1 = 1.0 / np.sqrt(H)
    W1 = jax.random.uniform(ks[5], (H, 16), dtype=jnp.float32, minval=-s1, maxval=s1)
    b1 = jax.random.uniform(ks[6], (16,), dtype=jnp.float32, minval=-s1, maxval=s1)
    s2 = 1.0 / np.sqrt(16)
    W2 = jax.random.uniform(ks[7], (16, C), dtype=jnp.float32, minval=-s2, maxval=s2)
    b2 = jax.random.uniform(ks[8], (C,), dtype=jnp.float32, minval=-s2, maxval=s2)
    Wa = jax.random.uniform(ks[9], (H, 1), dtype=jnp.float32, minval=-s1, maxval=s1)
    ba = jax.random.uniform(ks[10], (1,), dtype=jnp.float32, minval=-s1, maxval=s1)
    return {"x": x, "edge_index": edge_index, "batch": batch,
            "W_l": W_l, "b_l": b_l, "W_r": W_r,
            "gamma": gamma, "beta": beta,
            "W1": W1, "b1": b1, "W2": W2, "b2": b2,
            "Wa": Wa, "ba": ba}


def reference(x, edge_index, batch, W_l, b_l, W_r, gamma, beta, W1, b1, W2, b2, Wa, ba):
    src = edge_index[0]
    dst = edge_index[1]
    # SAGEConv with mean aggregation: out = lin_l(mean_j x_j) + lin_r(x_i)
    msgs = jnp.take(x, src, axis=0)
    agg_sum = jax.ops.segment_sum(msgs, dst, num_segments=N)
    cnt = jax.ops.segment_sum(jnp.ones((E,), dtype=x.dtype), dst, num_segments=N)
    agg = agg_sum / jnp.maximum(cnt, 1.0)[:, None]
    h = agg @ W_l + b_l + x @ W_r
    # BatchNorm1d (training-mode batch statistics)
    mean = jnp.mean(h, axis=0)
    var = jnp.var(h, axis=0)
    h = (h - mean) / jnp.sqrt(var + 1e-5) * gamma + beta
    h = jax.nn.relu(h)
    # global_mean_pool over batch ids
    pooled_sum = jax.ops.segment_sum(h, batch, num_segments=G)
    gcnt = jax.ops.segment_sum(jnp.ones((N,), dtype=h.dtype), batch, num_segments=G)
    pooled = pooled_sum / jnp.maximum(gcnt, 1.0)[:, None]
    # classifier (dropout is identity at inference)
    hid = jax.nn.relu(pooled @ W1 + b1)
    out = hid @ W2 + b2
    anomaly_score = jax.nn.sigmoid(pooled @ Wa + ba)
    return (out, anomaly_score)

if __name__ == "__main__":
    import jax
    _d = setup_inputs()
    print(jax.jit(kernel)(*tuple(_d.values())))

</pallas_src>

<mosaic_0001>
#map = affine_map<(d0, d1) -> (0, 0)>
#map1 = affine_map<(d0, d1) -> (0, 0, 0)>
module attributes {stable_mosaic.version = 14 : i64} {
  func.func @_sc_agg_body(%arg0: i32, %arg1: i32, %arg2: memref<10000x48xf32, #tpu.memory_space<hbm>>, %arg3: memref<2x2500x128xi32, #tpu.memory_space<hbm>>, %arg4: memref<2x10240x48xf32, #tpu.memory_space<hbm>>, %arg5: memref<79x128xi32, #tpu.memory_space<vmem>>, %arg6: memref<79x128xi32, #tpu.memory_space<vmem>>, %arg7: memref<384x48xf32, #tpu.memory_space<vmem>>, %arg8: memref<384x48xf32, #tpu.memory_space<vmem>>, %arg9: memref<10240x48xf32, #tpu.memory_space<vmem_shared>>, %arg10: memref<!tpu.dma_semaphore, #tpu.memory_space<semaphore_mem>>, %arg11: memref<!tpu.dma_semaphore, #tpu.memory_space<semaphore_mem>>, %arg12: memref<!tpu.dma_semaphore, #tpu.memory_space<semaphore_mem>>, %arg13: memref<!tpu.dma_semaphore, #tpu.memory_space<semaphore_mem>>) attributes {dimension_semantics = [#tpu.dimension_semantics<core_parallel>, #tpu.dimension_semantics<subcore_parallel>], iteration_bounds = array<i64: 2, 16>, scalar_prefetch = 0 : i64, scratch_operands = 9 : i64, tpu.core_type = #tpu.core_type<sc_vector_subcore>, window_params = [{transform_indices = #map}, {transform_indices = #map1}, {transform_indices = #map1}]} {
    %mul3A = arith.constant 16 : i32
    %mul3A_0 = arith.muli %arg0, %mul3A : i32
    %add3A = arith.addi %mul3A_0, %arg1 : i32
    %mul3A_1 = arith.constant 640 : i32
    %mul3A_2 = arith.muli %arg1, %mul3A_1 : i32
    %mul3A_3 = arith.constant 78 : i32
    %mul3A_4 = arith.muli %add3A, %mul3A_3 : i32
    %broadcast_in_dim3A = arith.constant 0.000000e+00 : f32
    %broadcast_in_dim3A_5 = vector.broadcast %broadcast_in_dim3A : f32 to vector<16xf32>
    %scan3A = arith.constant 0 : i32
    %scan3A_6 = arith.constant 0 : i32
    %scan3A_7 = arith.constant 384 : i32
    %scan3A_8 = arith.addi %scan3A_6, %scan3A_7 : i32
    %scan3A_9 = arith.constant 1 : i32
    scf.for %scan3A_90 = %scan3A_6 to %scan3A_8 step %scan3A_9  : i32 {
      %swap3A = arith.index_cast %scan3A_90 : i32 to index
      %swap3A_91 = arith.constant 0 : index
      %swap3A_92 = tpu.vector_load %arg7[%swap3A, %swap3A_91] {strides = array<i32>} : memref<384x48xf32, #tpu.memory_space<vmem>>, vector<1x16xf32>,
      %swap3A_93 = vector.shape_cast %swap3A_92 : vector<1x16xf32> to vector<16xf32>
      %swap3A_94 = vector.shape_cast %broadcast_in_dim3A_5 : vector<16xf32> to vector<1x16xf32>
      tpu.vector_store %arg7[%swap3A, %swap3A_91], %swap3A_94 {strides = array<i32>} : memref<384x48xf32, #tpu.memory_space<vmem>>, vector<1x16xf32>,
      %swap3A_95 = arith.index_cast %scan3A_90 : i32 to index
      %swap3A_96 = arith.constant 16 : index
      %swap3A_97 = tpu.vector_load %arg7[%swap3A_95, %swap3A_96] {strides = array<i32>} : memref<384x48xf32, #tpu.memory_space<vmem>>, vector<1x16xf32>,
      %swap3A_98 = vector.shape_cast %swap3A_97 : vector<1x16xf32> to vector<16xf32>
      %swap3A_99 = vector.shape_cast %broadcast_in_dim3A_5 : vector<16xf32> to vector<1x16xf32>
      tpu.vector_store %arg7[%swap3A_95, %swap3A_96], %swap3A_99 {strides = array<i32>} : memref<384x48xf32, #tpu.memory_space<vmem>>, vector<1x16xf32>,
      %swap3A_100 = arith.index_cast %scan3A_90 : i32 to index
      %swap3A_101 = arith.constant 32 : index
      %swap3A_102 = tpu.vector_load %arg7[%swap3A_100, %swap3A_101] {strides = array<i32>} : memref<384x48xf32, #tpu.memory_space<vmem>>, vector<1x16xf32>,
      %swap3A_103 = vector.shape_cast %swap3A_102 : vector<1x16xf32> to vector<16xf32>
      %swap3A_104 = vector.shape_cast %broadcast_in_dim3A_5 : vector<16xf32> to vector<1x16xf32>
      tpu.vector_store %arg7[%swap3A_100, %swap3A_101], %swap3A_104 {strides = array<i32>} : memref<384x48xf32, #tpu.memory_space<vmem>>, vector<1x16xf32>,
    }
    %scan3A_10 = arith.constant 384 : i32
    "tpu.region"() ({
      %run_scoped3A_90 = tpu.sem_alloc : memref<!tpu.dma_semaphore, #tpu.memory_space<semaphore_mem>>
      %dma_start3A_91 = arith.constant 0 : i32
      %dma_start3A_92 = tpu.memref_slice %arg9[%mul3A_2, %dma_start3A_91] : memref<10240x48xf32, #tpu.memory_space<vmem_shared>> -> memref<384x48xf32, #tpu.memory_space<vmem_shared>>
      %dma_start3A_93 = arith.constant 0 : i32
      %dma_start3A_94 = tpu.memref_slice %arg9[%mul3A_2, %dma_start3A_93] : memref<10240x48xf32, #tpu.memory_space<vmem_shared>> -> memref<384x48xf32, #tpu.memory_space<vmem_shared>>
      tpu.enqueue_dma source(%arg7 : memref<384x48xf32, #tpu.memory_space<vmem>>) target(%dma_start3A_94 : memref<384x48xf32, #tpu.memory_space<vmem_shared>>) target_semaphore(%run_scoped3A_90 : memref<!tpu.dma_semaphore, #tpu.memory_space<semaphore_mem>>)
      %dma_wait3A_95 = arith.constant 0 : i32
      %dma_wait3A_96 = tpu.memref_slice %arg9[%mul3A_2, %dma_wait3A_95] : memref<10240x48xf32, #tpu.memory_space<vmem_shared>> -> memref<384x48xf32, #tpu.memory_space<vmem_shared>>
      %dma_wait3A_97 = arith.constant 0 : i32
      %dma_wait3A_98 = tpu.memref_slice %arg9[%mul3A_2, %dma_wait3A_97] : memref<10240x48xf32, #tpu.memory_space<vmem_shared>> -> memref<384x48xf32, #tpu.memory_space<vmem_shared>>
      tpu.wait_dma2 semaphore(%run_scoped3A_90 : memref<!tpu.dma_semaphore, #tpu.memory_space<semaphore_mem>>) src(%arg7 : memref<384x48xf32, #tpu.memory_space<vmem>>) dst(%dma_wait3A_98 : memref<384x48xf32, #tpu.memory_space<vmem_shared>>)
      tpu.yield
    }) : () -> ()
    %add3A_11 = arith.constant 384 : i32
    %add3A_12 = arith.addi %mul3A_2, %add3A_11 : i32
    "tpu.region"() ({
      %run_scoped3A_90 = tpu.sem_alloc : memref<!tpu.dma_semaphore, #tpu.memory_space<semaphore_mem>>
      %dma_start3A_91 = arith.constant 0 : i32
      %dma_start3A_92 = arith.constant 0 : i32
      %dma_start3A_93 = tpu.memref_slice %arg7[%dma_start3A_91, %dma_start3A_92] : memref<384x48xf32, #tpu.memory_space<vmem>> -> memref<256x48xf32, #tpu.memory_space<vmem>>
      %dma_start3A_94 = arith.constant 0 : i32
      %dma_start3A_95 = tpu.memref_slice %arg9[%add3A_12, %dma_start3A_94] : memref<10240x48xf32, #tpu.memory_space<vmem_shared>> -> memref<256x48xf32, #tpu.memory_space<vmem_shared>>
      %dma_start3A_96 = arith.constant 0 : i32
      %dma_start3A_97 = tpu.memref_slice %arg9[%add3A_12, %dma_start3A_96] : memref<10240x48xf32, #tpu.memory_space<vmem_shared>> -> memref<256x48xf32, #tpu.memory_space<vmem_shared>>
      %dma_start3A_98 = arith.constant 0 : i32
      %dma_start3A_99 = arith.constant 0 : i32
      %dma_start3A_100 = tpu.memref_slice %arg7[%dma_start3A_98, %dma_start3A_99] : memref<384x48xf32, #tpu.memory_space<vmem>> -> memref<256x48xf32, #tpu.memory_space<vmem>>
      tpu.enqueue_dma source(%dma_start3A_100 : memref<256x48xf32, #tpu.memory_space<vmem>>) target(%dma_start3A_97 : memref<256x48xf32, #tpu.memory_space<vmem_shared>>) target_semaphore(%run_scoped3A_90 : memref<!tpu.dma_semaphore, #tpu.memory_space<semaphore_mem>>)
      %dma_wait3A_101 = arith.constant 0 : i32
      %dma_wait3A_102 = arith.constant 0 : i32
      %dma_wait3A_103 = tpu.memref_slice %arg7[%dma_wait3A_101, %dma_wait3A_102] : memref<384x48xf32, #tpu.memory_space<vmem>> -> memref<256x48xf32, #tpu.memory_space<vmem>>
      %dma_wait3A_104 = arith.constant 0 : i32
      %dma_wait3A_105 = tpu.memref_slice %arg9[%add3A_12, %dma_wait3A_104] : memref<10240x48xf32, #tpu.memory_space<vmem_shared>> -> memref<256x48xf32, #tpu.memory_space<vmem_shared>>
      %dma_wait3A_106 = arith.constant 0 : i32
      %dma_wait3A_107 = tpu.memref_slice %arg9[%add3A_12, %dma_wait3A_106] : memref<10240x48xf32, #tpu.memory_space<vmem_shared>> -> memref<256x48xf32, #tpu.memory_space<vmem_shared>>
      %dma_wait3A_108 = arith.constant 0 : i32
      %dma_wait3A_109 = arith.constant 0 : i32
      %dma_wait3A_110 = tpu.memref_slice %arg7[%dma_wait3A_108, %dma_wait3A_109] : memref<384x48xf32, #tpu.memory_space<vmem>> -> memref<256x48xf32, #tpu.memory_space<vmem>>
      tpu.wait_dma2 semaphore(%run_scoped3A_90 : memref<!tpu.dma_semaphore, #tpu.memory_space<semaphore_mem>>) src(%dma_wait3A_110 : memref<256x48xf32, #tpu.memory_space<vmem>>) dst(%dma_wait3A_107 : memref<256x48xf32, #tpu.memory_space<vmem_shared>>)
      tpu.yield
    }) : () -> ()
    %run_scoped3A = arith.constant 0 : i32
    "tpu.region"() ({
      %run_scoped3A_90 = tpu.sem_alloc : memref<!tpu.dma_semaphore, #tpu.memory_space<semaphore_mem>>
      %dma_start3A_91 = arith.constant 0 : i32
      %dma_start3A_92 = arith.constant 0 : i32
      %dma_start3A_93 = tpu.memref_slice %arg5[%dma_start3A_91, %dma_start3A_92] : memref<79x128xi32, #tpu.memory_space<vmem>> -> memref<78x128xi32, #tpu.memory_space<vmem>>
      %dma_start3A_94 = arith.constant 0 : i32
      %dma_start3A_95 = tpu.memref_slice %arg3[%run_scoped3A, %mul3A_4, %dma_start3A_94] : memref<2x2500x128xi32, #tpu.memory_space<hbm>> -> memref<1x78x128xi32, #tpu.memory_space<hbm>>
      %dma_start3A_96 = tpu.memref_squeeze %dma_start3A_95 : memref<1x78x128xi32, #tpu.memory_space<hbm>> -> memref<78x128xi32, #tpu.memory_space<hbm>>
      %dma_start3A_97 = arith.constant 0 : i32
      %dma_start3A_98 = arith.constant 0 : i32
      %dma_start3A_99 = tpu.memref_slice %arg5[%dma_start3A_97, %dma_start3A_98] : memref<79x128xi32, #tpu.memory_space<vmem>> -> memref<78x128xi32, #tpu.memory_space<vmem>>
      %dma_start3A_100 = arith.constant 0 : i32
      %dma_start3A_101 = tpu.memref_slice %arg3[%run_scoped3A, %mul3A_4, %dma_start3A_100] : memref<2x2500x128xi32, #tpu.memory_space<hbm>> -> memref<1x78x128xi32, #tpu.memory_space<hbm>>
      %dma_start3A_102 = tpu.memref_squeeze %dma_start3A_101 : memref<1x78x128xi32, #tpu.memory_space<hbm>> -> memref<78x128xi32, #tpu.memory_space<hbm>>
      tpu.enqueue_dma source(%dma_start3A_102 : memref<78x128xi32, #tpu.memory_space<hbm>>) target(%dma_start3A_99 : memref<78x128xi32, #tpu.memory_space<vmem>>) target_semaphore(%run_scoped3A_90 : memref<!tpu.dma_semaphore, #tpu.memory_space<semaphore_mem>>)
      %dma_wait3A_103 = arith.constant 0 : i32
      %dma_wait3A_104 = arith.constant 0 : i32
      %dma_wait3A_105 = tpu.memref_slice %arg5[%dma_wait3A_103, %dma_wait3A_104] : memref<79x128xi32, #tpu.memory_space<vmem>> -> memref<78x128xi32, #tpu.memory_space<vmem>>
      %dma_wait3A_106 = arith.constant 0 : i32
      %dma_wait3A_107 = tpu.memref_slice %arg3[%run_scoped3A, %mul3A_4, %dma_wait3A_106] : memref<2x2500x128xi32, #tpu.memory_space<hbm>> -> memref<1x78x128xi32, #tpu.memory_space<hbm>>
      %dma_wait3A_108 = tpu.memref_squeeze %dma_wait3A_107 : memref<1x78x128xi32, #tpu.memory_space<hbm>> -> memref<78x128xi32, #tpu.memory_space<hbm>>
      %dma_wait3A_109 = arith.constant 0 : i32
      %dma_wait3A_110 = arith.constant 0 : i32
      %dma_wait3A_111 = tpu.memref_slice %arg5[%dma_wait3A_109, %dma_wait3A_110] : memref<79x128xi32, #tpu.memory_space<vmem>> -> memref<78x128xi32, #tpu.memory_space<vmem>>
      %dma_wait3A_112 = arith.constant 0 : i32
      %dma_wait3A_113 = tpu.memref_slice %arg3[%run_scoped3A, %mul3A_4, %dma_wait3A_112] : memref<2x2500x128xi32, #tpu.memory_space<hbm>> -> memref<1x78x128xi32, #tpu.memory_space<hbm>>
      %dma_wait3A_114 = tpu.memref_squeeze %dma_wait3A_113 : memref<1x78x128xi32, #tpu.memory_space<hbm>> -> memref<78x128xi32, #tpu.memory_space<hbm>>
      tpu.wait_dma2 semaphore(%run_scoped3A_90 : memref<!tpu.dma_semaphore, #tpu.memory_space<semaphore_mem>>) src(%dma_wait3A_114 : memref<78x128xi32, #tpu.memory_space<hbm>>) dst(%dma_wait3A_111 : memref<78x128xi32, #tpu.memory_space<vmem>>)
      tpu.yield
    }) : () -> ()
    %run_scoped3A_13 = arith.constant 1 : i32
    "tpu.region"() ({
      %run_scoped3A_90 = tpu.sem_alloc : memref<!tpu.dma_semaphore, #tpu.memory_space<semaphore_mem>>
      %dma_start3A_91 = arith.constant 0 : i32
      %dma_start3A_92 = arith.constant 0 : i32
      %dma_start3A_93 = tpu.memref_slice %arg6[%dma_start3A_91, %dma_start3A_92] : memref<79x128xi32, #tpu.memory_space<vmem>> -> memref<78x128xi32, #tpu.memory_space<vmem>>
      %dma_start3A_94 = arith.constant 0 : i32
      %dma_start3A_95 = tpu.memref_slice %arg3[%run_scoped3A_13, %mul3A_4, %dma_start3A_94] : memref<2x2500x128xi32, #tpu.memory_space<hbm>> -> memref<1x78x128xi32, #tpu.memory_space<hbm>>
      %dma_start3A_96 = tpu.memref_squeeze %dma_start3A_95 : memref<1x78x128xi32, #tpu.memory_space<hbm>> -> memref<78x128xi32, #tpu.memory_space<hbm>>
      %dma_start3A_97 = arith.constant 0 : i32
      %dma_start3A_98 = arith.constant 0 : i32
      %dma_start3A_99 = tpu.memref_slice %arg6[%dma_start3A_97, %dma_start3A_98] : memref<79x128xi32, #tpu.memory_space<vmem>> -> memref<78x128xi32, #tpu.memory_space<vmem>>
      %dma_start3A_100 = arith.constant 0 : i32
      %dma_start3A_101 = tpu.memref_slice %arg3[%run_scoped3A_13, %mul3A_4, %dma_start3A_100] : memref<2x2500x128xi32, #tpu.memory_space<hbm>> -> memref<1x78x128xi32, #tpu.memory_space<hbm>>
      %dma_start3A_102 = tpu.memref_squeeze %dma_start3A_101 : memref<1x78x128xi32, #tpu.memory_space<hbm>> -> memref<78x128xi32, #tpu.memory_space<hbm>>
      tpu.enqueue_dma source(%dma_start3A_102 : memref<78x128xi32, #tpu.memory_space<hbm>>) target(%dma_start3A_99 : memref<78x128xi32, #tpu.memory_space<vmem>>) target_semaphore(%run_scoped3A_90 : memref<!tpu.dma_semaphore, #tpu.memory_space<semaphore_mem>>)
      %dma_wait3A_103 = arith.constant 0 : i32
      %dma_wait3A_104 = arith.constant 0 : i32
      %dma_wait3A_105 = tpu.memref_slice %arg6[%dma_wait3A_103, %dma_wait3A_104] : memref<79x128xi32, #tpu.memory_space<vmem>> -> memref<78x128xi32, #tpu.memory_space<vmem>>
      %dma_wait3A_106 = arith.constant 0 : i32
      %dma_wait3A_107 = tpu.memref_slice %arg3[%run_scoped3A_13, %mul3A_4, %dma_wait3A_106] : memref<2x2500x128xi32, #tpu.memory_space<hbm>> -> memref<1x78x128xi32, #tpu.memory_space<hbm>>
      %dma_wait3A_108 = tpu.memref_squeeze %dma_wait3A_107 : memref<1x78x128xi32, #tpu.memory_space<hbm>> -> memref<78x128xi32, #tpu.memory_space<hbm>>
      %dma_wait3A_109 = arith.constant 0 : i32
      %dma_wait3A_110 = arith.constant 0 : i32
      %dma_wait3A_111 = tpu.memref_slice %arg6[%dma_wait3A_109, %dma_wait3A_110] : memref<79x128xi32, #tpu.memory_space<vmem>> -> memref<78x128xi32, #tpu.memory_space<vmem>>
      %dma_wait3A_112 = arith.constant 0 : i32
      %dma_wait3A_113 = tpu.memref_slice %arg3[%run_scoped3A_13, %mul3A_4, %dma_wait3A_112] : memref<2x2500x128xi32, #tpu.memory_space<hbm>> -> memref<1x78x128xi32, #tpu.memory_space<hbm>>
      %dma_wait3A_114 = tpu.memref_squeeze %dma_wait3A_113 : memref<1x78x128xi32, #tpu.memory_space<hbm>> -> memref<78x128xi32, #tpu.memory_space<hbm>>
      tpu.wait_dma2 semaphore(%run_scoped3A_90 : memref<!tpu.dma_semaphore, #tpu.memory_space<semaphore_mem>>) src(%dma_wait3A_114 : memref<78x128xi32, #tpu.memory_space<hbm>>) dst(%dma_wait3A_111 : memref<78x128xi32, #tpu.memory_space<vmem>>)
      tpu.yield
    }) : () -> ()
    %lt3A = arith.constant 4 : i32
    %lt3A_14 = arith.cmpi slt, %add3A, %lt3A : i32
    %convert_element_type3A = arith.extui %lt3A_14 : i1 to i32
    %cond3A = arith.constant 0 : i32
    %cond3A_15 = arith.cmpi ne, %convert_element_type3A, %cond3A : i32
    scf.if %cond3A_15 {
      %add3A_90 = arith.constant 2496 : i32
      %add3A_91 = arith.addi %add3A_90, %add3A : i32
      %run_scoped3A_92 = arith.constant 0 : i32
      "tpu.region"() ({
        %run_scoped3A_96 = tpu.sem_alloc : memref<!tpu.dma_semaphore, #tpu.memory_space<semaphore_mem>>
        %dma_start3A_97 = arith.constant 78 : i32
        %dma_start3A_98 = arith.constant 0 : i32
        %dma_start3A_99 = tpu.memref_slice %arg5[%dma_start3A_97, %dma_start3A_98] : memref<79x128xi32, #tpu.memory_space<vmem>> -> memref<1x128xi32, #tpu.memory_space<vmem>>
        %dma_start3A_100 = arith.constant 0 : i32
        %dma_start3A_101 = tpu.memref_slice %arg3[%run_scoped3A_92, %add3A_91, %dma_start3A_100] : memref<2x2500x128xi32, #tpu.memory_space<hbm>> -> memref<1x1x128xi32, #tpu.memory_space<hbm>>
        %dma_start3A_102 = tpu.memref_squeeze %dma_start3A_101 : memref<1x1x128xi32, #tpu.memory_space<hbm>> -> memref<1x128xi32, #tpu.memory_space<hbm>>
        %dma_start3A_103 = arith.constant 78 : i32
        %dma_start3A_104 = arith.constant 0 : i32
        %dma_start3A_105 = tpu.memref_slice %arg5[%dma_start3A_103, %dma_start3A_104] : memref<79x128xi32, #tpu.memory_space<vmem>> -> memref<1x128xi32, #tpu.memory_space<vmem>>
        %dma_start3A_106 = arith.constant 0 : i32
        %dma_start3A_107 = tpu.memref_slice %arg3[%run_scoped3A_92, %add3A_91, %dma_start3A_106] : memref<2x2500x128xi32, #tpu.memory_space<hbm>> -> memref<1x1x128xi32, #tpu.memory_space<hbm>>
        %dma_start3A_108 = tpu.memref_squeeze %dma_start3A_107 : memref<1x1x128xi32, #tpu.memory_space<hbm>> -> memref<1x128xi32, #tpu.memory_space<hbm>>
        tpu.enqueue_dma source(%dma_start3A_108 : memref<1x128xi32, #tpu.memory_space<hbm>>) target(%dma_start3A_105 : memref<1x128xi32, #tpu.memory_space<vmem>>) target_semaphore(%run_scoped3A_96 : memref<!tpu.dma_semaphore, #tpu.memory_space<semaphore_mem>>)
        %dma_wait3A_109 = arith.constant 78 : i32
        %dma_wait3A_110 = arith.constant 0 : i32
        %dma_wait3A_111 = tpu.memref_slice %arg5[%dma_wait3A_109, %dma_wait3A_110] : memref<79x128xi32, #tpu.memory_space<vmem>> -> memref<1x128xi32, #tpu.memory_space<vmem>>
        %dma_wait3A_112 = arith.constant 0 : i32
        %dma_wait3A_113 = tpu.memref_slice %arg3[%run_scoped3A_92, %add3A_91, %dma_wait3A_112] : memref<2x2500x128xi32, #tpu.memory_space<hbm>> -> memref<1x1x128xi32, #tpu.memory_space<hbm>>
        %dma_wait3A_114 = tpu.memref_squeeze %dma_wait3A_113 : memref<1x1x128xi32, #tpu.memory_space<hbm>> -> memref<1x128xi32, #tpu.memory_space<hbm>>
        %dma_wait3A_115 = arith.constant 78 : i32
        %dma_wait3A_116 = arith.constant 0 : i32
        %dma_wait3A_117 = tpu.memref_slice %arg5[%dma_wait3A_115, %dma_wait3A_116] : memref<79x128xi32, #tpu.memory_space<vmem>> -> memref<1x128xi32, #tpu.memory_space<vmem>>
        %dma_wait3A_118 = arith.constant 0 : i32
        %dma_wait3A_119 = tpu.memref_slice %arg3[%run_scoped3A_92, %add3A_91, %dma_wait3A_118] : memref<2x2500x128xi32, #tpu.memory_space<hbm>> -> memref<1x1x128xi32, #tpu.memory_space<hbm>>
        %dma_wait3A_120 = tpu.memref_squeeze %dma_wait3A_119 : memref<1x1x128xi32, #tpu.memory_space<hbm>> -> memref<1x128xi32, #tpu.memory_space<hbm>>
        tpu.wait_dma2 semaphore(%run_scoped3A_96 : memref<!tpu.dma_semaphore, #tpu.memory_space<semaphore_mem>>) src(%dma_wait3A_120 : memref<1x128xi32, #tpu.memory_space<hbm>>) dst(%dma_wait3A_117 : memref<1x128xi32, #tpu.memory_space<vmem>>)
        tpu.yield
      }) : () -> ()
      %add3A_93 = arith.constant 2496 : i32
      %add3A_94 = arith.addi %add3A_93, %add3A : i32
      %run_scoped3A_95 = arith.constant 1 : i32
      "tpu.region"() ({
        %run_scoped3A_96 = tpu.sem_alloc : memref<!tpu.dma_semaphore, #tpu.memory_space<semaphore_mem>>
        %dma_start3A_97 = arith.constant 78 : i32
        %dma_start3A_98 = arith.constant 0 : i32
        %dma_start3A_99 = tpu.memref_slice %arg6[%dma_start3A_97, %dma_start3A_98] : memref<79x128xi32, #tpu.memory_space<vmem>> -> memref<1x128xi32, #tpu.memory_space<vmem>>
        %dma_start3A_100 = arith.constant 0 : i32
        %dma_start3A_101 = tpu.memref_slice %arg3[%run_scoped3A_95, %add3A_94, %dma_start3A_100] : memref<2x2500x128xi32, #tpu.memory_space<hbm>> -> memref<1x1x128xi32, #tpu.memory_space<hbm>>
        %dma_start3A_102 = tpu.memref_squeeze %dma_start3A_101 : memref<1x1x128xi32, #tpu.memory_space<hbm>> -> memref<1x128xi32, #tpu.memory_space<hbm>>
        %dma_start3A_103 = arith.constant 78 : i32
        %dma_start3A_104 = arith.constant 0 : i32
        %dma_start3A_105 = tpu.memref_slice %arg6[%dma_start3A_103, %dma_start3A_104] : memref<79x128xi32, #tpu.memory_space<vmem>> -> memref<1x128xi32, #tpu.memory_space<vmem>>
        %dma_start3A_106 = arith.constant 0 : i32
        %dma_start3A_107 = tpu.memref_slice %arg3[%run_scoped3A_95, %add3A_94, %dma_start3A_106] : memref<2x2500x128xi32, #tpu.memory_space<hbm>> -> memref<1x1x128xi32, #tpu.memory_space<hbm>>
        %dma_start3A_108 = tpu.memref_squeeze %dma_start3A_107 : memref<1x1x128xi32, #tpu.memory_space<hbm>> -> memref<1x128xi32, #tpu.memory_space<hbm>>
        tpu.enqueue_dma source(%dma_start3A_108 : memref<1x128xi32, #tpu.memory_space<hbm>>) target(%dma_start3A_105 : memref<1x128xi32, #tpu.memory_space<vmem>>) target_semaphore(%run_scoped3A_96 : memref<!tpu.dma_semaphore, #tpu.memory_space<semaphore_mem>>)
        %dma_wait3A_109 = arith.constant 78 : i32
        %dma_wait3A_110 = arith.constant 0 : i32
        %dma_wait3A_111 = tpu.memref_slice %arg6[%dma_wait3A_109, %dma_wait3A_110] : memref<79x128xi32, #tpu.memory_space<vmem>> -> memref<1x128xi32, #tpu.memory_space<vmem>>
        %dma_wait3A_112 = arith.constant 0 : i32
        %dma_wait3A_113 = tpu.memref_slice %arg3[%run_scoped3A_95, %add3A_94, %dma_wait3A_112] : memref<2x2500x128xi32, #tpu.memory_space<hbm>> -> memref<1x1x128xi32, #tpu.memory_space<hbm>>
        %dma_wait3A_114 = tpu.memref_squeeze %dma_wait3A_113 : memref<1x1x128xi32, #tpu.memory_space<hbm>> -> memref<1x128xi32, #tpu.memory_space<hbm>>
        %dma_wait3A_115 = arith.constant 78 : i32
        %dma_wait3A_116 = arith.constant 0 : i32
        %dma_wait3A_117 = tpu.memref_slice %arg6[%dma_wait3A_115, %dma_wait3A_116] : memref<79x128xi32, #tpu.memory_space<vmem>> -> memref<1x128xi32, #tpu.memory_space<vmem>>
        %dma_wait3A_118 = arith.constant 0 : i32
        %dma_wait3A_119 = tpu.memref_slice %arg3[%run_scoped3A_95, %add3A_94, %dma_wait3A_118] : memref<2x2500x128xi32, #tpu.memory_space<hbm>> -> memref<1x1x128xi32, #tpu.memory_space<hbm>>
        %dma_wait3A_120 = tpu.memref_squeeze %dma_wait3A_119 : memref<1x1x128xi32, #tpu.memory_space<hbm>> -> memref<1x128xi32, #tpu.memory_space<hbm>>
        tpu.wait_dma2 semaphore(%run_scoped3A_96 : memref<!tpu.dma_semaphore, #tpu.memory_space<semaphore_mem>>) src(%dma_wait3A_120 : memref<1x128xi32, #tpu.memory_space<hbm>>) dst(%dma_wait3A_117 : memref<1x128xi32, #tpu.memory_space<vmem>>)
        tpu.yield
      }) : () -> ()
    } else {
    }
    %barrier3A = arith.constant 0 : index
    tpu.barrier barrier_id(%barrier3A)
    %dma_start3A = arith.constant 0 : i32
    %dma_start3A_16 = arith.constant 0 : i32
    %dma_start3A_17 = arith.constant 0 : i32
    %dma_start3A_18 = tpu.memref_slice %arg7[%dma_start3A_16, %dma_start3A_17] : memref<384x48xf32, #tpu.memory_space<vmem>> -> memref<128x48xf32, #tpu.memory_space<vmem>>
    %dma_start3A_19 = arith.constant 0 : i32
    %dma_start3A_20 = tpu.memref_slice %arg5[%dma_start3A, %dma_start3A_19] : memref<79x128xi32, #tpu.memory_space<vmem>> -> memref<1x128xi32, #tpu.memory_space<vmem>>
    %dma_start3A_21 = tpu.memref_squeeze %dma_start3A_20 : memref<1x128xi32, #tpu.memory_space<vmem>> -> memref<128xi32, #tpu.memory_space<vmem>>
    %dma_start3A_22 = arith.constant 0 : i32
    %dma_start3A_23 = arith.constant 0 : i32
    %dma_start3A_24 = tpu.memref_slice %arg2[%dma_start3A_22, %dma_start3A_23] : memref<10000x48xf32, #tpu.memory_space<hbm>> -> memref<10000x48xf32, #tpu.memory_space<hbm>>
    tpu.enqueue_indirect_dma source(%dma_start3A_24 : memref<10000x48xf32, #tpu.memory_space<hbm>>) target(%dma_start3A_18 : memref<128x48xf32, #tpu.memory_space<vmem>>) offsets(%dma_start3A_21 : memref<128xi32, #tpu.memory_space<vmem>>) semaphore(%arg10 : memref<!tpu.dma_semaphore, #tpu.memory_space<semaphore_mem>>)
    %dma_start3A_25 = arith.constant 1 : i32
    %dma_start3A_26 = arith.constant 128 : i32
    %dma_start3A_27 = arith.constant 0 : i32
    %dma_start3A_28 = tpu.memref_slice %arg7[%dma_start3A_26, %dma_start3A_27] : memref<384x48xf32, #tpu.memory_space<vmem>> -> memref<128x48xf32, #tpu.memory_space<vmem>>
    %dma_start3A_29 = arith.constant 0 : i32
    %dma_start3A_30 = tpu.memref_slice %arg5[%dma_start3A_25, %dma_start3A_29] : memref<79x128xi32, #tpu.memory_space<vmem>> -> memref<1x128xi32, #tpu.memory_space<vmem>>
    %dma_start3A_31 = tpu.memref_squeeze %dma_start3A_30 : memref<1x128xi32, #tpu.memory_space<vmem>> -> memref<128xi32, #tpu.memory_space<vmem>>
    %dma_start3A_32 = arith.constant 0 : i32
    %dma_start3A_33 = arith.constant 0 : i32
    %dma_start3A_34 = tpu.memref_slice %arg2[%dma_start3A_32, %dma_start3A_33] : memref<10000x48xf32, #tpu.memory_space<hbm>> -> memref<10000x48xf32, #tpu.memory_space<hbm>>
    tpu.enqueue_indirect_dma source(%dma_start3A_34 : memref<10000x48xf32, #tpu.memory_space<hbm>>) target(%dma_start3A_28 : memref<128x48xf32, #tpu.memory_space<vmem>>) offsets(%dma_start3A_31 : memref<128xi32, #tpu.memory_space<vmem>>) semaphore(%arg10 : memref<!tpu.dma_semaphore, #tpu.memory_space<semaphore_mem>>)
    %dma_start3A_35 = arith.constant 2 : i32
    %dma_start3A_36 = arith.constant 256 : i32
    %dma_start3A_37 = arith.constant 0 : i32
    %dma_start3A_38 = tpu.memref_slice %arg7[%dma_start3A_36, %dma_start3A_37] : memref<384x48xf32, #tpu.memory_space<vmem>> -> memref<128x48xf32, #tpu.memory_space<vmem>>
    %dma_start3A_39 = arith.constant 0 : i32
    %dma_start3A_40 = tpu.memref_slice %arg5[%dma_start3A_35, %dma_start3A_39] : memref<79x128xi32, #tpu.memory_space<vmem>> -> memref<1x128xi32, #tpu.memory_space<vmem>>
    %dma_start3A_41 = tpu.memref_squeeze %dma_start3A_40 : memref<1x128xi32, #tpu.memory_space<vmem>> -> memref<128xi32, #tpu.memory_space<vmem>>
    %dma_start3A_42 = arith.constant 0 : i32
    %dma_start3A_43 = arith.constant 0 : i32
    %dma_start3A_44 = tpu.memref_slice %arg2[%dma_start3A_42, %dma_start3A_43] : memref<10000x48xf32, #tpu.memory_space<hbm>> -> memref<10000x48xf32, #tpu.memory_space<hbm>>
    tpu.enqueue_indirect_dma source(%dma_start3A_44 : memref<10000x48xf32, #tpu.memory_space<hbm>>) target(%dma_start3A_38 : memref<128x48xf32, #tpu.memory_space<vmem>>) offsets(%dma_start3A_41 : memref<128xi32, #tpu.memory_space<vmem>>) semaphore(%arg10 : memref<!tpu.dma_semaphore, #tpu.memory_space<semaphore_mem>>)
    %scan3A_45 = arith.constant 0 : i32
    %scan3A_46 = arith.constant 0 : i32
    %scan3A_47 = arith.constant 13 : i32
    %scan3A_48 = arith.addi %scan3A_46, %scan3A_47 : i32
    %scan3A_49 = arith.constant 1 : i32
    scf.for %scan3A_90 = %scan3A_46 to %scan3A_48 step %scan3A_49  : i32 {
      %mul3A_91 = arith.constant 2 : i32
      %mul3A_92 = arith.muli %mul3A_91, %scan3A_90 : i32
      %mul3A_93 = arith.constant 2 : i32
      %mul3A_94 = arith.muli %mul3A_93, %scan3A_90 : i32
      %add3A_95 = arith.constant 1 : i32
      %add3A_96 = arith.addi %mul3A_94, %add3A_95 : i32
      %gt3A = arith.constant 0 : i32
      %gt3A_97 = arith.cmpi sgt, %scan3A_90, %gt3A : i32
      %convert_element_type3A_98 = arith.extui %gt3A_97 : i1 to i32
      %cond3A_99 = arith.constant 0 : i32
      %cond3A_100 = arith.cmpi ne, %convert_element_type3A_98, %cond3A_99 : i32
      scf.if %cond3A_100 {
        %sub3A = arith.constant 2 : i32
        %sub3A_340 = arith.subi %add3A_96, %sub3A : i32
        %mul3A_341 = arith.constant 3 : i32
        %mul3A_342 = arith.muli %sub3A_340, %mul3A_341 : i32
        %add3A_343 = arith.constant 0 : i32
        %add3A_344 = arith.addi %mul3A_342, %add3A_343 : i32
        %mul3A_345 = arith.constant 3 : i32
        %mul3A_346 = arith.muli %sub3A_340, %mul3A_345 : i32
        %add3A_347 = arith.constant 1 : i32
        %add3A_348 = arith.addi %mul3A_346, %add3A_347 : i32
        %mul3A_349 = arith.constant 3 : i32
        %mul3A_350 = arith.muli %sub3A_340, %mul3A_349 : i32
        %add3A_351 = arith.constant 2 : i32
        %add3A_352 = arith.addi %mul3A_350, %add3A_351 : i32
        %dma_wait3A_353 = arith.constant 0 : i32
        %dma_wait3A_354 = arith.constant 0 : i32
        %dma_wait3A_355 = tpu.memref_slice %arg8[%dma_wait3A_353, %dma_wait3A_354] : memref<384x48xf32, #tpu.memory_space<vmem>> -> memref<128x48xf32, #tpu.memory_space<vmem>>
        %dma_wait3A_356 = arith.constant 0 : i32
        %dma_wait3A_357 = tpu.memref_slice %arg6[%add3A_344, %dma_wait3A_356] : memref<79x128xi32, #tpu.memory_space<vmem>> -> memref<1x128xi32, #tpu.memory_space<vmem>>
        %dma_wait3A_358 = tpu.memref_squeeze %dma_wait3A_357 : memref<1x128xi32, #tpu.memory_space<vmem>> -> memref<128xi32, #tpu.memory_space<vmem>>
        %dma_wait3A_359 = arith.constant 0 : i32
        %dma_wait3A_360 = arith.constant 0 : i32
        %dma_wait3A_361 = tpu.memref_slice %arg9[%dma_wait3A_359, %dma_wait3A_360] : memref<10240x48xf32, #tpu.memory_space<vmem_shared>> -> memref<10240x48xf32, #tpu.memory_space<vmem_shared>>
        tpu.wait_indirect_dma semaphore(%arg13 : memref<!tpu.dma_semaphore, #tpu.memory_space<semaphore_mem>>) src(%dma_wait3A_355 : memref<128x48xf32, #tpu.memory_space<vmem>>) dst(%dma_wait3A_361 : memref<10240x48xf32, #tpu.memory_space<vmem_shared>>)
        %dma_wait3A_362 = arith.constant 128 : i32
        %dma_wait3A_363 = arith.constant 0 : i32
        %dma_wait3A_364 = tpu.memref_slice %arg8[%dma_wait3A_362, %dma_wait3A_363] : memref<384x48xf32, #tpu.memory_space<vmem>> -> memref<128x48xf32, #tpu.memory_space<vmem>>
        %dma_wait3A_365 = arith.constant 0 : i32
        %dma_wait3A_366 = tpu.memref_slice %arg6[%add3A_348, %dma_wait3A_365] : memref<79x128xi32, #tpu.memory_space<vmem>> -> memref<1x128xi32, #tpu.memory_space<vmem>>
        %dma_wait3A_367 = tpu.memref_squeeze %dma_wait3A_366 : memref<1x128xi32, #tpu.memory_space<vmem>> -> memref<128xi32, #tpu.memory_space<vmem>>
        %dma_wait3A_368 = arith.constant 0 : i32
        %dma_wait3A_369 = arith.constant 0 : i32
        %dma_wait3A_370 = tpu.memref_slice %arg9[%dma_wait3A_368, %dma_wait3A_369] : memref<10240x48xf32, #tpu.memory_space<vmem_shared>> -> memref<10240x48xf32, #tpu.memory_space<vmem_shared>>
        tpu.wait_indirect_dma semaphore(%arg13 : memref<!tpu.dma_semaphore, #tpu.memory_space<semaphore_mem>>) src(%dma_wait3A_364 : memref<128x48xf32, #tpu.memory_space<vmem>>) dst(%dma_wait3A_370 : memref<10240x48xf32, #tpu.memory_space<vmem_shared>>)
        %dma_wait3A_371 = arith.constant 256 : i32
        %dma_wait3A_372 = arith.constant 0 : i32
        %dma_wait3A_373 = tpu.memref_slice %arg8[%dma_wait3A_371, %dma_wait3A_372] : memref<384x48xf32, #tpu.memory_space<vmem>> -> memref<128x48xf32, #tpu.memory_space<vmem>>
        %dma_wait3A_374 = arith.constant 0 : i32
        %dma_wait3A_375 = tpu.memref_slice %arg6[%add3A_352, %dma_wait3A_374] : memref<79x128xi32, #tpu.memory_space<vmem>> -> memref<1x128xi32, #tpu.memory_space<vmem>>
        %dma_wait3A_376 = tpu.memref_squeeze %dma_wait3A_375 : memref<1x128xi32, #tpu.memory_space<vmem>> -> memref<128xi32, #tpu.memory_space<vmem>>
        %dma_wait3A_377 = arith.constant 0 : i32
        %dma_wait3A_378 = arith.constant 0 : i32
        %dma_wait3A_379 = tpu.memref_slice %arg9[%dma_wait3A_377, %dma_wait3A_378] : memref<10240x48xf32, #tpu.memory_space<vmem_shared>> -> memref<10240x48xf32, #tpu.memory_space<vmem_shared>>
        tpu.wait_indirect_dma semaphore(%arg13 : memref<!tpu.dma_semaphore, #tpu.memory_space<semaphore_mem>>) src(%dma_wait3A_373 : memref<128x48xf32, #tpu.memory_space<vmem>>) dst(%dma_wait3A_379 : memref<10240x48xf32, #tpu.memory_space<vmem_shared>>)
      } else {
      }
      %mul3A_101 = arith.constant 3 : i32
      %mul3A_102 = arith.muli %add3A_96, %mul3A_101 : i32
      %add3A_103 = arith.constant 0 : i32
      %add3A_104 = arith.addi %mul3A_102, %add3A_103 : i32
      %mul3A_105 = arith.constant 3 : i32
      %mul3A_106 = arith.muli %add3A_96, %mul3A_105 : i32
      %add3A_107 = arith.constant 1 : i32
      %add3A_108 = arith.addi %mul3A_106, %add3A_107 : i32
      %mul3A_109 = arith.constant 3 : i32
      %mul3A_110 = arith.muli %add3A_96, %mul3A_109 : i32
      %add3A_111 = arith.constant 2 : i32
      %add3A_112 = arith.addi %mul3A_110, %add3A_111 : i32
      %dma_start3A_113 = arith.constant 0 : i32
      %dma_start3A_114 = arith.constant 0 : i32
      %dma_start3A_115 = tpu.memref_slice %arg8[%dma_start3A_113, %dma_start3A_114] : memref<384x48xf32, #tpu.memory_space<vmem>> -> memref<128x48xf32, #tpu.memory_space<vmem>>
      %dma_start3A_116 = arith.constant 0 : i32
      %dma_start3A_117 = tpu.memref_slice %arg5[%add3A_104, %dma_start3A_116] : memref<79x128xi32, #tpu.memory_space<vmem>> -> memref<1x128xi32, #tpu.memory_space<vmem>>
      %dma_start3A_118 = tpu.memref_squeeze %dma_start3A_117 : memref<1x128xi32, #tpu.memory_space<vmem>> -> memref<128xi32, #tpu.memory_space<vmem>>
      %dma_start3A_119 = arith.constant 0 : i32
      %dma_start3A_120 = arith.constant 0 : i32
      %dma_start3A_121 = tpu.memref_slice %arg2[%dma_start3A_119, %dma_start3A_120] : memref<10000x48xf32, #tpu.memory_space<hbm>> -> memref<10000x48xf32, #tpu.memory_space<hbm>>
      tpu.enqueue_indirect_dma source(%dma_start3A_121 : memref<10000x48xf32, #tpu.memory_space<hbm>>) target(%dma_start3A_115 : memref<128x48xf32, #tpu.memory_space<vmem>>) offsets(%dma_start3A_118 : memref<128xi32, #tpu.memory_space<vmem>>) semaphore(%arg11 : memref<!tpu.dma_semaphore, #tpu.memory_space<semaphore_mem>>)
      %dma_start3A_122 = arith.constant 128 : i32
      %dma_start3A_123 = arith.constant 0 : i32
      %dma_start3A_124 = tpu.memref_slice %arg8[%dma_start3A_122, %dma_start3A_123] : memref<384x48xf32, #tpu.memory_space<vmem>> -> memref<128x48xf32, #tpu.memory_space<vmem>>
      %dma_start3A_125 = arith.constant 0 : i32
      %dma_start3A_126 = tpu.memref_slice %arg5[%add3A_108, %dma_start3A_125] : memref<79x128xi32, #tpu.memory_space<vmem>> -> memref<1x128xi32, #tpu.memory_space<vmem>>
      %dma_start3A_127 = tpu.memref_squeeze %dma_start3A_126 : memref<1x128xi32, #tpu.memory_space<vmem>> -> memref<128xi32, #tpu.memory_space<vmem>>
      %dma_start3A_128 = arith.constant 0 : i32
      %dma_start3A_129 = arith.constant 0 : i32
      %dma_start3A_130 = tpu.memref_slice %arg2[%dma_start3A_128, %dma_start3A_129] : memref<10000x48xf32, #tpu.memory_space<hbm>> -> memref<10000x48xf32, #tpu.memory_space<hbm>>
      tpu.enqueue_indirect_dma source(%dma_start3A_130 : memref<10000x48xf32, #tpu.memory_space<hbm>>) target(%dma_start3A_124 : memref<128x48xf32, #tpu.memory_space<vmem>>) offsets(%dma_start3A_127 : memref<128xi32, #tpu.memory_space<vmem>>) semaphore(%arg11 : memref<!tpu.dma_semaphore, #tpu.memory_space<semaphore_mem>>)
      %dma_start3A_131 = arith.constant 256 : i32
      %dma_start3A_132 = arith.constant 0 : i32
      %dma_start3A_133 = tpu.memref_slice %arg8[%dma_start3A_131, %dma_start3A_132] : memref<384x48xf32, #tpu.memory_space<vmem>> -> memref<128x48xf32, #tpu.memory_space<vmem>>
      %dma_start3A_134 = arith.constant 0 : i32
      %dma_start3A_135 = tpu.memref_slice %arg5[%add3A_112, %dma_start3A_134] : memref<79x128xi32, #tpu.memory_space<vmem>> -> memref<1x128xi32, #tpu.memory_space<vmem>>
      %dma_start3A_136 = tpu.memref_squeeze %dma_start3A_135 : memref<1x128xi32, #tpu.memory_space<vmem>> -> memref<128xi32, #tpu.memory_space<vmem>>
      %dma_start3A_137 = arith.constant 0 : i32
      %dma_start3A_138 = arith.constant 0 : i32
      %dma_start3A_139 = tpu.memref_slice %arg2[%dma_start3A_137, %dma_start3A_138] : memref<10000x48xf32, #tpu.memory_space<hbm>> -> memref<10000x48xf32, #tpu.memory_space<hbm>>
      tpu.enqueue_indirect_dma source(%dma_start3A_139 : memref<10000x48xf32, #tpu.memory_space<hbm>>) target(%dma_start3A_133 : memref<128x48xf32, #tpu.memory_space<vmem>>) offsets(%dma_start3A_136 : memref<128xi32, #tpu.memory_space<vmem>>) semaphore(%arg11 : memref<!tpu.dma_semaphore, #tpu.memory_space<semaphore_mem>>)
      %mul3A_140 = arith.constant 3 : i32
      %mul3A_141 = arith.muli %mul3A_92, %mul3A_140 : i32
      %add3A_142 = arith.constant 0 : i32
      %add3A_143 = arith.addi %mul3A_141, %add3A_142 : i32
      %mul3A_144 = arith.constant 3 : i32
      %mul3A_145 = arith.muli %mul3A_92, %mul3A_144 : i32
      %add3A_146 = arith.constant 1 : i32
      %add3A_147 = arith.addi %mul3A_145, %add3A_146 : i32
      %mul3A_148 = arith.constant 3 : i32
      %mul3A_149 = arith.muli %mul3A_92, %mul3A_148 : i32
      %add3A_150 = arith.constant 2 : i32
      %add3A_151 = arith.addi %mul3A_149, %add3A_150 : i32
      %dma_wait3A_152 = arith.constant 0 : i32
      %dma_wait3A_153 = arith.constant 0 : i32
      %dma_wait3A_154 = tpu.memref_slice %arg7[%dma_wait3A_152, %dma_wait3A_153] : memref<384x48xf32, #tpu.memory_space<vmem>> -> memref<128x48xf32, #tpu.memory_space<vmem>>
      %dma_wait3A_155 = arith.constant 0 : i32
      %dma_wait3A_156 = tpu.memref_slice %arg5[%add3A_143, %dma_wait3A_155] : memref<79x128xi32, #tpu.memory_space<vmem>> -> memref<1x128xi32, #tpu.memory_space<vmem>>
      %dma_wait3A_157 = tpu.memref_squeeze %dma_wait3A_156 : memref<1x128xi32, #tpu.memory_space<vmem>> -> memref<128xi32, #tpu.memory_space<vmem>>
      %dma_wait3A_158 = arith.constant 0 : i32
      %dma_wait3A_159 = arith.constant 0 : i32
      %dma_wait3A_160 = tpu.memref_slice %arg2[%dma_wait3A_158, %dma_wait3A_159] : memref<10000x48xf32, #tpu.memory_space<hbm>> -> memref<10000x48xf32, #tpu.memory_space<hbm>>
      tpu.wait_indirect_dma semaphore(%arg10 : memref<!tpu.dma_semaphore, #tpu.memory_space<semaphore_mem>>) src(%dma_wait3A_160 : memref<10000x48xf32, #tpu.memory_space<hbm>>) dst(%dma_wait3A_154 : memref<128x48xf32, #tpu.memory_space<vmem>>)
      %dma_wait3A_161 = arith.constant 128 : i32
      %dma_wait3A_162 = arith.constant 0 : i32
      %dma_wait3A_163 = tpu.memref_slice %arg7[%dma_wait3A_161, %dma_wait3A_162] : memref<384x48xf32, #tpu.memory_space<vmem>> -> memref<128x48xf32, #tpu.memory_space<vmem>>
      %dma_wait3A_164 = arith.constant 0 : i32
      %dma_wait3A_165 = tpu.memref_slice %arg5[%add3A_147, %dma_wait3A_164] : memref<79x128xi32, #tpu.memory_space<vmem>> -> memref<1x128xi32, #tpu.memory_space<vmem>>
      %dma_wait3A_166 = tpu.memref_squeeze %dma_wait3A_165 : memref<1x128xi32, #tpu.memory_space<vmem>> -> memref<128xi32, #tpu.memory_space<vmem>>
      %dma_wait3A_167 = arith.constant 0 : i32
      %dma_wait3A_168 = arith.constant 0 : i32
      %dma_wait3A_169 = tpu.memref_slice %arg2[%dma_wait3A_167, %dma_wait3A_168] : memref<10000x48xf32, #tpu.memory_space<hbm>> -> memref<10000x48xf32, #tpu.memory_space<hbm>>
      tpu.wait_indirect_dma semaphore(%arg10 : memref<!tpu.dma_semaphore, #tpu.memory_space<semaphore_mem>>) src(%dma_wait3A_169 : memref<10000x48xf32, #tpu.memory_space<hbm>>) dst(%dma_wait3A_163 : memref<128x48xf32, #tpu.memory_space<vmem>>)
      %dma_wait3A_170 = arith.constant 256 : i32
      %dma_wait3A_171 = arith.constant 0 : i32
      %dma_wait3A_172 = tpu.memref_slice %arg7[%dma_wait3A_170, %dma_wait3A_171] : memref<384x48xf32, #tpu.memory_space<vmem>> -> memref<128x48xf32, #tpu.memory_space<vmem>>
      %dma_wait3A_173 = arith.constant 0 : i32
      %dma_wait3A_174 = tpu.memref_slice %arg5[%add3A_151, %dma_wait3A_173] : memref<79x128xi32, #tpu.memory_space<vmem>> -> memref<1x128xi32, #tpu.memory_space<vmem>>
      %dma_wait3A_175 = tpu.memref_squeeze %dma_wait3A_174 : memref<1x128xi32, #tpu.memory_space<vmem>> -> memref<128xi32, #tpu.memory_space<vmem>>
      %dma_wait3A_176 = arith.constant 0 : i32
      %dma_wait3A_177 = arith.constant 0 : i32
      %dma_wait3A_178 = tpu.memref_slice %arg2[%dma_wait3A_176, %dma_wait3A_177] : memref<10000x48xf32, #tpu.memory_space<hbm>> -> memref<10000x48xf32, #tpu.memory_space<hbm>>
      tpu.wait_indirect_dma semaphore(%arg10 : memref<!tpu.dma_semaphore, #tpu.memory_space<semaphore_mem>>) src(%dma_wait3A_178 : memref<10000x48xf32, #tpu.memory_space<hbm>>) dst(%dma_wait3A_172 : memref<128x48xf32, #tpu.memory_space<vmem>>)
      %mul3A_179 = arith.constant 3 : i32
      %mul3A_180 = arith.muli %mul3A_92, %mul3A_179 : i32
      %add3A_181 = arith.constant 0 : i32
      %add3A_182 = arith.addi %mul3A_180, %add3A_181 : i32
      %mul3A_183 = arith.constant 3 : i32
      %mul3A_184 = arith.muli %mul3A_92, %mul3A_183 : i32
      %add3A_185 = arith.constant 1 : i32
      %add3A_186 = arith.addi %mul3A_184, %add3A_185 : i32
      %mul3A_187 = arith.constant 3 : i32
      %mul3A_188 = arith.muli %mul3A_92, %mul3A_187 : i32
      %add3A_189 = arith.constant 2 : i32
      %add3A_190 = arith.addi %mul3A_188, %add3A_189 : i32
      %dma_start3A_191 = arith.constant 0 : i32
      %dma_start3A_192 = arith.constant 0 : i32
      %dma_start3A_193 = tpu.memref_slice %arg7[%dma_start3A_191, %dma_start3A_192] : memref<384x48xf32, #tpu.memory_space<vmem>> -> memref<128x48xf32, #tpu.memory_space<vmem>>
      %dma_start3A_194 = arith.constant 0 : i32
      %dma_start3A_195 = tpu.memref_slice %arg6[%add3A_182, %dma_start3A_194] : memref<79x128xi32, #tpu.memory_space<vmem>> -> memref<1x128xi32, #tpu.memory_space<vmem>>
      %dma_start3A_196 = tpu.memref_squeeze %dma_start3A_195 : memref<1x128xi32, #tpu.memory_space<vmem>> -> memref<128xi32, #tpu.memory_space<vmem>>
      %dma_start3A_197 = arith.constant 0 : i32
      %dma_start3A_198 = arith.constant 0 : i32
      %dma_start3A_199 = tpu.memref_slice %arg9[%dma_start3A_197, %dma_start3A_198] : memref<10240x48xf32, #tpu.memory_space<vmem_shared>> -> memref<10240x48xf32, #tpu.memory_space<vmem_shared>>
      tpu.enqueue_indirect_dma source(%dma_start3A_193 : memref<128x48xf32, #tpu.memory_space<vmem>>) target(%dma_start3A_199 : memref<10240x48xf32, #tpu.memory_space<vmem_shared>>) offsets(%dma_start3A_196 : memref<128xi32, #tpu.memory_space<vmem>>) semaphore(%arg12 : memref<!tpu.dma_semaphore, #tpu.memory_space<semaphore_mem>>) {add = true}
      %dma_start3A_200 = arith.constant 128 : i32
      %dma_start3A_201 = arith.constant 0 : i32
      %dma_start3A_202 = tpu.memref_slice %arg7[%dma_start3A_200, %dma_start3A_201] : memref<384x48xf32, #tpu.memory_space<vmem>> -> memref<128x48xf32, #tpu.memory_space<vmem>>
      %dma_start3A_203 = arith.constant 0 : i32
      %dma_start3A_204 = tpu.memref_slice %arg6[%add3A_186, %dma_start3A_203] : memref<79x128xi32, #tpu.memory_space<vmem>> -> memref<1x128xi32, #tpu.memory_space<vmem>>
      %dma_start3A_205 = tpu.memref_squeeze %dma_start3A_204 : memref<1x128xi32, #tpu.memory_space<vmem>> -> memref<128xi32, #tpu.memory_space<vmem>>
      %dma_start3A_206 = arith.constant 0 : i32
      %dma_start3A_207 = arith.constant 0 : i32
      %dma_start3A_208 = tpu.memref_slice %arg9[%dma_start3A_206, %dma_start3A_207] : memref<10240x48xf32, #tpu.memory_space<vmem_shared>> -> memref<10240x48xf32, #tpu.memory_space<vmem_shared>>
      tpu.enqueue_indirect_dma source(%dma_start3A_202 : memref<128x48xf32, #tpu.memory_space<vmem>>) target(%dma_start3A_208 : memref<10240x48xf32, #tpu.memory_space<vmem_shared>>) offsets(%dma_start3A_205 : memref<128xi32, #tpu.memory_space<vmem>>) semaphore(%arg12 : memref<!tpu.dma_semaphore, #tpu.memory_space<semaphore_mem>>) {add = true}
      %dma_start3A_209 = arith.constant 256 : i32
      %dma_start3A_210 = arith.constant 0 : i32
      %dma_start3A_211 = tpu.memref_slice %arg7[%dma_start3A_209, %dma_start3A_210] : memref<384x48xf32, #tpu.memory_space<vmem>> -> memref<128x48xf32, #tpu.memory_space<vmem>>
      %dma_start3A_212 = arith.constant 0 : i32
      %dma_start3A_213 = tpu.memref_slice %arg6[%add3A_190, %dma_start3A_212] : memref<79x128xi32, #tpu.memory_space<vmem>> -> memref<1x128xi32, #tpu.memory_space<vmem>>
      %dma_start3A_214 = tpu.memref_squeeze %dma_start3A_213 : memref<1x128xi32, #tpu.memory_space<vmem>> -> memref<128xi32, #tpu.memory_space<vmem>>
      %dma_start3A_215 = arith.constant 0 : i32
      %dma_start3A_216 = arith.constant 0 : i32
      %dma_start3A_217 = tpu.memref_slice %arg9[%dma_start3A_215, %dma_start3A_216] : memref<10240x48xf32, #tpu.memory_space<vmem_shared>> -> memref<10240x48xf32, #tpu.memory_space<vmem_shared>>
      tpu.enqueue_indirect_dma source(%dma_start3A_211 : memref<128x48xf32, #tpu.memory_space<vmem>>) target(%dma_start3A_217 : memref<10240x48xf32, #tpu.memory_space<vmem_shared>>) offsets(%dma_start3A_214 : memref<128xi32, #tpu.memory_space<vmem>>) semaphore(%arg12 : memref<!tpu.dma_semaphore, #tpu.memory_space<semaphore_mem>>) {add = true}
      %mul3A_218 = arith.constant 3 : i32
      %mul3A_219 = arith.muli %mul3A_92, %mul3A_218 : i32
      %add3A_220 = arith.constant 0 : i32
      %add3A_221 = arith.addi %mul3A_219, %add3A_220 : i32
      %mul3A_222 = arith.constant 3 : i32
      %mul3A_223 = arith.muli %mul3A_92, %mul3A_222 : i32
      %add3A_224 = arith.constant 1 : i32
      %add3A_225 = arith.addi %mul3A_223, %add3A_224 : i32
      %mul3A_226 = arith.constant 3 : i32
      %mul3A_227 = arith.muli %mul3A_92, %mul3A_226 : i32
      %add3A_228 = arith.constant 2 : i32
      %add3A_229 = arith.addi %mul3A_227, %add3A_228 : i32
      %dma_wait3A_230 = arith.constant 0 : i32
      %dma_wait3A_231 = arith.constant 0 : i32
      %dma_wait3A_232 = tpu.memref_slice %arg7[%dma_wait3A_230, %dma_wait3A_231] : memref<384x48xf32, #tpu.memory_space<vmem>> -> memref<128x48xf32, #tpu.memory_space<vmem>>
      %dma_wait3A_233 = arith.constant 0 : i32
      %dma_wait3A_234 = tpu.memref_slice %arg6[%add3A_221, %dma_wait3A_233] : memref<79x128xi32, #tpu.memory_space<vmem>> -> memref<1x128xi32, #tpu.memory_space<vmem>>
      %dma_wait3A_235 = tpu.memref_squeeze %dma_wait3A_234 : memref<1x128xi32, #tpu.memory_space<vmem>> -> memref<128xi32, #tpu.memory_space<vmem>>
      %dma_wait3A_236 = arith.constant 0 : i32
      %dma_wait3A_237 = arith.constant 0 : i32
      %dma_wait3A_238 = tpu.memref_slice %arg9[%dma_wait3A_236, %dma_wait3A_237] : memref<10240x48xf32, #tpu.memory_space<vmem_shared>> -> memref<10240x48xf32, #tpu.memory_space<vmem_shared>>
      tpu.wait_indirect_dma semaphore(%arg12 : memref<!tpu.dma_semaphore, #tpu.memory_space<semaphore_mem>>) src(%dma_wait3A_232 : memref<128x48xf32, #tpu.memory_space<vmem>>) dst(%dma_wait3A_238 : memref<10240x48xf32, #tpu.memory_space<vmem_shared>>)
      %dma_wait3A_239 = arith.constant 128 : i32
      %dma_wait3A_240 = arith.constant 0 : i32
      %dma_wait3A_241 = tpu.memref_slice %arg7[%dma_wait3A_239, %dma_wait3A_240] : memref<384x48xf32, #tpu.memory_space<vmem>> -> memref<128x48xf32, #tpu.memory_space<vmem>>
      %dma_wait3A_242 = arith.constant 0 : i32
      %dma_wait3A_243 = tpu.memref_slice %arg6[%add3A_225, %dma_wait3A_242] : memref<79x128xi32, #tpu.memory_space<vmem>> -> memref<1x128xi32, #tpu.memory_space<vmem>>
      %dma_wait3A_244 = tpu.memref_squeeze %dma_wait3A_243 : memref<1x128xi32, #tpu.memory_space<vmem>> -> memref<128xi32, #tpu.memory_space<vmem>>
      %dma_wait3A_245 = arith.constant 0 : i32
      %dma_wait3A_246 = arith.constant 0 : i32
      %dma_wait3A_247 = tpu.memref_slice %arg9[%dma_wait3A_245, %dma_wait3A_246] : memref<10240x48xf32, #tpu.memory_space<vmem_shared>> -> memref<10240x48xf32, #tpu.memory_space<vmem_shared>>
      tpu.wait_indirect_dma semaphore(%arg12 : memref<!tpu.dma_semaphore, #tpu.memory_space<semaphore_mem>>) src(%dma_wait3A_241 : memref<128x48xf32, #tpu.memory_space<vmem>>) dst(%dma_wait3A_247 : memref<10240x48xf32, #tpu.memory_space<vmem_shared>>)
      %dma_wait3A_248 = arith.constant 256 : i32
      %dma_wait3A_249 = arith.constant 0 : i32
      %dma_wait3A_250 = tpu.memref_slice %arg7[%dma_wait3A_248, %dma_wait3A_249] : memref<384x48xf32, #tpu.memory_space<vmem>> -> memref<128x48xf32, #tpu.memory_space<vmem>>
      %dma_wait3A_251 = arith.constant 0 : i32
      %dma_wait3A_252 = tpu.memref_slice %arg6[%add3A_229, %dma_wait3A_251] : memref<79x128xi32, #tpu.memory_space<vmem>> -> memref<1x128xi32, #tpu.memory_space<vmem>>
      %dma_wait3A_253 = tpu.memref_squeeze %dma_wait3A_252 : memref<1x128xi32, #tpu.memory_space<vmem>> -> memref<128xi32, #tpu.memory_space<vmem>>
      %dma_wait3A_254 = arith.constant 0 : i32
      %dma_wait3A_255 = arith.constant 0 : i32
      %dma_wait3A_256 = tpu.memref_slice %arg9[%dma_wait3A_254, %dma_wait3A_255] : memref<10240x48xf32, #tpu.memory_space<vmem_shared>> -> memref<10240x48xf32, #tpu.memory_space<vmem_shared>>
      tpu.wait_indirect_dma semaphore(%arg12 : memref<!tpu.dma_semaphore, #tpu.memory_space<semaphore_mem>>) src(%dma_wait3A_250 : memref<128x48xf32, #tpu.memory_space<vmem>>) dst(%dma_wait3A_256 : memref<10240x48xf32, #tpu.memory_space<vmem_shared>>)
      %lt3A_257 = arith.constant 12 : i32
      %lt3A_258 = arith.cmpi slt, %scan3A_90, %lt3A_257 : i32
      %convert_element_type3A_259 = arith.extui %lt3A_258 : i1 to i32
      %cond3A_260 = arith.constant 0 : i32
      %cond3A_261 = arith.cmpi ne, %convert_element_type3A_259, %cond3A_260 : i32
      scf.if %cond3A_261 {
        %add3A_340 = arith.constant 2 : i32
        %add3A_341 = arith.addi %mul3A_92, %add3A_340 : i32
        %mul3A_342 = arith.constant 3 : i32
        %mul3A_343 = arith.muli %add3A_341, %mul3A_342 : i32
        %add3A_344 = arith.constant 0 : i32
        %add3A_345 = arith.addi %mul3A_343, %add3A_344 : i32
        %mul3A_346 = arith.constant 3 : i32
        %mul3A_347 = arith.muli %add3A_341, %mul3A_346 : i32
        %add3A_348 = arith.constant 1 : i32
        %add3A_349 = arith.addi %mul3A_347, %add3A_348 : i32
        %mul3A_350 = arith.constant 3 : i32
        %mul3A_351 = arith.muli %add3A_341, %mul3A_350 : i32
        %add3A_352 = arith.constant 2 : i32
        %add3A_353 = arith.addi %mul3A_351, %add3A_352 : i32
        %dma_start3A_354 = arith.constant 0 : i32
        %dma_start3A_355 = arith.constant 0 : i32
        %dma_start3A_356 = tpu.memref_slice %arg7[%dma_start3A_354, %dma_start3A_355] : memref<384x48xf32, #tpu.memory_space<vmem>> -> memref<128x48xf32, #tpu.memory_space<vmem>>
        %dma_start3A_357 = arith.constant 0 : i32
        %dma_start3A_358 = tpu.memref_slice %arg5[%add3A_345, %dma_start3A_357] : memref<79x128xi32, #tpu.memory_space<vmem>> -> memref<1x128xi32, #tpu.memory_space<vmem>>
        %dma_start3A_359 = tpu.memref_squeeze %dma_start3A_358 : memref<1x128xi32, #tpu.memory_space<vmem>> -> memref<128xi32, #tpu.memory_space<vmem>>
        %dma_start3A_360 = arith.constant 0 : i32
        %dma_start3A_361 = arith.constant 0 : i32
        %dma_start3A_362 = tpu.memref_slice %arg2[%dma_start3A_360, %dma_start3A_361] : memref<10000x48xf32, #tpu.memory_space<hbm>> -> memref<10000x48xf32, #tpu.memory_space<hbm>>
        tpu.enqueue_indirect_dma source(%dma_start3A_362 : memref<10000x48xf32, #tpu.memory_space<hbm>>) target(%dma_start3A_356 : memref<128x48xf32, #tpu.memory_space<vmem>>) offsets(%dma_start3A_359 : memref<128xi32, #tpu.memory_space<vmem>>) semaphore(%arg10 : memref<!tpu.dma_semaphore, #tpu.memory_space<semaphore_mem>>)
        %dma_start3A_363 = arith.constant 128 : i32
        %dma_start3A_364 = arith.constant 0 : i32
        %dma_start3A_365 = tpu.memref_slice %arg7[%dma_start3A_363, %dma_start3A_364] : memref<384x48xf32, #tpu.memory_space<vmem>> -> memref<128x48xf32, #tpu.memory_space<vmem>>
        %dma_start3A_366 = arith.constant 0 : i32
        %dma_start3A_367 = tpu.memref_slice %arg5[%add3A_349, %dma_start3A_366] : memref<79x128xi32, #tpu.memory_space<vmem>> -> memref<1x128xi32, #tpu.memory_space<vmem>>
        %dma_start3A_368 = tpu.memref_squeeze %dma_start3A_367 : memref<1x128xi32, #tpu.memory_space<vmem>> -> memref<128xi32, #tpu.memory_space<vmem>>
        %dma_start3A_369 = arith.constant 0 : i32
        %dma_start3A_370 = arith.constant 0 : i32
        %dma_start3A_371 = tpu.memref_slice %arg2[%dma_start3A_369, %dma_start3A_370] : memref<10000x48xf32, #tpu.memory_space<hbm>> -> memref<10000x48xf32, #tpu.memory_space<hbm>>
        tpu.enqueue_indirect_dma source(%dma_start3A_371 : memref<10000x48xf32, #tpu.memory_space<hbm>>) target(%dma_start3A_365 : memref<128x48xf32, #tpu.memory_space<vmem>>) offsets(%dma_start3A_368 : memref<128xi32, #tpu.memory_space<vmem>>) semaphore(%arg10 : memref<!tpu.dma_semaphore, #tpu.memory_space<semaphore_mem>>)
        %dma_start3A_372 = arith.constant 256 : i32
        %dma_start3A_373 = arith.constant 0 : i32
        %dma_start3A_374 = tpu.memref_slice %arg7[%dma_start3A_372, %dma_start3A_373] : memref<384x48xf32, #tpu.memory_space<vmem>> -> memref<128x48xf32, #tpu.memory_space<vmem>>
        %dma_start3A_375 = arith.constant 0 : i32
        %dma_start3A_376 = tpu.memref_slice %arg5[%add3A_353, %dma_start3A_375] : memref<79x128xi32, #tpu.memory_space<vmem>> -> memref<1x128xi32, #tpu.memory_space<vmem>>
        %dma_start3A_377 = tpu.memref_squeeze %dma_start3A_376 : memref<1x128xi32, #tpu.memory_space<vmem>> -> memref<128xi32, #tpu.memory_space<vmem>>
        %dma_start3A_378 = arith.constant 0 : i32
        %dma_start3A_379 = arith.constant 0 : i32
        %dma_start3A_380 = tpu.memref_slice %arg2[%dma_start3A_378, %dma_start3A_379] : memref<10000x48xf32, #tpu.memory_space<hbm>> -> memref<10000x48xf32, #tpu.memory_space<hbm>>
        tpu.enqueue_indirect_dma source(%dma_start3A_380 : memref<10000x48xf32, #tpu.memory_space<hbm>>) target(%dma_start3A_374 : memref<128x48xf32, #tpu.memory_space<vmem>>) offsets(%dma_start3A_377 : memref<128xi32, #tpu.memory_space<vmem>>) semaphore(%arg10 : memref<!tpu.dma_semaphore, #tpu.memory_space<semaphore_mem>>)
      } else {
      }
      %mul3A_262 = arith.constant 3 : i32
      %mul3A_263 = arith.muli %add3A_96, %mul3A_262 : i32
      %add3A_264 = arith.constant 0 : i32
      %add3A_265 = arith.addi %mul3A_263, %add3A_264 : i32
      %mul3A_266 = arith.constant 3 : i32
      %mul3A_267 = arith.muli %add3A_96, %mul3A_266 : i32
      %add3A_268 = arith.constant 1 : i32
      %add3A_269 = arith.addi %mul3A_267, %add3A_268 : i32
      %mul3A_270 = arith.constant 3 : i32
      %mul3A_271 = arith.muli %add3A_96, %mul3A_270 : i32
      %add3A_272 = arith.constant 2 : i32
      %add3A_273 = arith.addi %mul3A_271, %add3A_272 : i32
      %dma_wait3A_274 = arith.constant 0 : i32
      %dma_wait3A_275 = arith.constant 0 : i32
      %dma_wait3A_276 = tpu.memref_slice %arg8[%dma_wait3A_274, %dma_wait3A_275] : memref<384x48xf32, #tpu.memory_space<vmem>> -> memref<128x48xf32, #tpu.memory_space<vmem>>
      %dma_wait3A_277 = arith.constant 0 : i32
      %dma_wait3A_278 = tpu.memref_slice %arg5[%add3A_265, %dma_wait3A_277] : memref<79x128xi32, #tpu.memory_space<vmem>> -> memref<1x128xi32, #tpu.memory_space<vmem>>
      %dma_wait3A_279 = tpu.memref_squeeze %dma_wait3A_278 : memref<1x128xi32, #tpu.memory_space<vmem>> -> memref<128xi32, #tpu.memory_space<vmem>>
      %dma_wait3A_280 = arith.constant 0 : i32
      %dma_wait3A_281 = arith.constant 0 : i32
      %dma_wait3A_282 = tpu.memref_slice %arg2[%dma_wait3A_280, %dma_wait3A_281] : memref<10000x48xf32, #tpu.memory_space<hbm>> -> memref<10000x48xf32, #tpu.memory_space<hbm>>
      tpu.wait_indirect_dma semaphore(%arg11 : memref<!tpu.dma_semaphore, #tpu.memory_space<semaphore_mem>>) src(%dma_wait3A_282 : memref<10000x48xf32, #tpu.memory_space<hbm>>) dst(%dma_wait3A_276 : memref<128x48xf32, #tpu.memory_space<vmem>>)
      %dma_wait3A_283 = arith.constant 128 : i32
      %dma_wait3A_284 = arith.constant 0 : i32
      %dma_wait3A_285 = tpu.memref_slice %arg8[%dma_wait3A_283, %dma_wait3A_284] : memref<384x48xf32, #tpu.memory_space<vmem>> -> memref<128x48xf32, #tpu.memory_space<vmem>>
      %dma_wait3A_286 = arith.constant 0 : i32
      %dma_wait3A_287 = tpu.memref_slice %arg5[%add3A_269, %dma_wait3A_286] : memref<79x128xi32, #tpu.memory_space<vmem>> -> memref<1x128xi32, #tpu.memory_space<vmem>>
      %dma_wait3A_288 = tpu.memref_squeeze %dma_wait3A_287 : memref<1x128xi32, #tpu.memory_space<vmem>> -> memref<128xi32, #tpu.memory_space<vmem>>
      %dma_wait3A_289 = arith.constant 0 : i32
      %dma_wait3A_290 = arith.constant 0 : i32
      %dma_wait3A_291 = tpu.memref_slice %arg2[%dma_wait3A_289, %dma_wait3A_290] : memref<10000x48xf32, #tpu.memory_space<hbm>> -> memref<10000x48xf32, #tpu.memory_space<hbm>>
      tpu.wait_indirect_dma semaphore(%arg11 : memref<!tpu.dma_semaphore, #tpu.memory_space<semaphore_mem>>) src(%dma_wait3A_291 : memref<10000x48xf32, #tpu.memory_space<hbm>>) dst(%dma_wait3A_285 : memref<128x48xf32, #tpu.memory_space<vmem>>)
      %dma_wait3A_292 = arith.constant 256 : i32
      %dma_wait3A_293 = arith.constant 0 : i32
      %dma_wait3A_294 = tpu.memref_slice %arg8[%dma_wait3A_292, %dma_wait3A_293] : memref<384x48xf32, #tpu.memory_space<vmem>> -> memref<128x48xf32, #tpu.memory_space<vmem>>
      %dma_wait3A_295 = arith.constant 0 : i32
      %dma_wait3A_296 = tpu.memref_slice %arg5[%add3A_273, %dma_wait3A_295] : memref<79x128xi32, #tpu.memory_space<vmem>> -> memref<1x128xi32, #tpu.memory_space<vmem>>
      %dma_wait3A_297 = tpu.memref_squeeze %dma_wait3A_296 : memref<1x128xi32, #tpu.memory_space<vmem>> -> memref<128xi32, #tpu.memory_space<vmem>>
      %dma_wait3A_298 = arith.constant 0 : i32
      %dma_wait3A_299 = arith.constant 0 : i32
      %dma_wait3A_300 = tpu.memref_slice %arg2[%dma_wait3A_298, %dma_wait3A_299] : memref<10000x48xf32, #tpu.memory_space<hbm>> -> memref<10000x48xf32, #tpu.memory_space<hbm>>
      tpu.wait_indirect_dma semaphore(%arg11 : memref<!tpu.dma_semaphore, #tpu.memory_space<semaphore_mem>>) src(%dma_wait3A_300 : memref<10000x48xf32, #tpu.memory_space<hbm>>) dst(%dma_wait3A_294 : memref<128x48xf32, #tpu.memory_space<vmem>>)
      %mul3A_301 = arith.constant 3 : i32
      %mul3A_302 = arith.muli %add3A_96, %mul3A_301 : i32
      %add3A_303 = arith.constant 0 : i32
      %add3A_304 = arith.addi %mul3A_302, %add3A_303 : i32
      %mul3A_305 = arith.constant 3 : i32
      %mul3A_306 = arith.muli %add3A_96, %mul3A_305 : i32
      %add3A_307 = arith.constant 1 : i32
      %add3A_308 = arith.addi %mul3A_306, %add3A_307 : i32
      %mul3A_309 = arith.constant 3 : i32
      %mul3A_310 = arith.muli %add3A_96, %mul3A_309 : i32
      %add3A_311 = arith.constant 2 : i32
      %add3A_312 = arith.addi %mul3A_310, %add3A_311 : i32
      %dma_start3A_313 = arith.constant 0 : i32
      %dma_start3A_314 = arith.constant 0 : i32
      %dma_start3A_315 = tpu.memref_slice %arg8[%dma_start3A_313, %dma_start3A_314] : memref<384x48xf32, #tpu.memory_space<vmem>> -> memref<128x48xf32, #tpu.memory_space<vmem>>
      %dma_start3A_316 = arith.constant 0 : i32
      %dma_start3A_317 = tpu.memref_slice %arg6[%add3A_304, %dma_start3A_316] : memref<79x128xi32, #tpu.memory_space<vmem>> -> memref<1x128xi32, #tpu.memory_space<vmem>>
      %dma_start3A_318 = tpu.memref_squeeze %dma_start3A_317 : memref<1x128xi32, #tpu.memory_space<vmem>> -> memref<128xi32, #tpu.memory_space<vmem>>
      %dma_start3A_319 = arith.constant 0 : i32
      %dma_start3A_320 = arith.constant 0 : i32
      %dma_start3A_321 = tpu.memref_slice %arg9[%dma_start3A_319, %dma_start3A_320] : memref<10240x48xf32, #tpu.memory_space<vmem_shared>> -> memref<10240x48xf32, #tpu.memory_space<vmem_shared>>
      tpu.enqueue_indirect_dma source(%dma_start3A_315 : memref<128x48xf32, #tpu.memory_space<vmem>>) target(%dma_start3A_321 : memref<10240x48xf32, #tpu.memory_space<vmem_shared>>) offsets(%dma_start3A_318 : memref<128xi32, #tpu.memory_space<vmem>>) semaphore(%arg13 : memref<!tpu.dma_semaphore, #tpu.memory_space<semaphore_mem>>) {add = true}
      %dma_start3A_322 = arith.constant 128 : i32
      %dma_start3A_323 = arith.constant 0 : i32
      %dma_start3A_324 = tpu.memref_slice %arg8[%dma_start3A_322, %dma_start3A_323] : memref<384x48xf32, #tpu.memory_space<vmem>> -> memref<128x48xf32, #tpu.memory_space<vmem>>
      %dma_start3A_325 = arith.constant 0 : i32
      %dma_start3A_326 = tpu.memref_slice %arg6[%add3A_308, %dma_start3A_325] : memref<79x128xi32, #tpu.memory_space<vmem>> -> memref<1x128xi32, #tpu.memory_space<vmem>>
      %dma_start3A_327 = tpu.memref_squeeze %dma_start3A_326 : memref<1x128xi32, #tpu.memory_space<vmem>> -> memref<128xi32, #tpu.memory_space<vmem>>
      %dma_start3A_328 = arith.constant 0 : i32
      %dma_start3A_329 = arith.constant 0 : i32
      %dma_start3A_330 = tpu.memref_slice %arg9[%dma_start3A_328, %dma_start3A_329] : memref<10240x48xf32, #tpu.memory_space<vmem_shared>> -> memref<10240x48xf32, #tpu.memory_space<vmem_shared>>
      tpu.enqueue_indirect_dma source(%dma_start3A_324 : memref<128x48xf32, #tpu.memory_space<vmem>>) target(%dma_start3A_330 : memref<10240x48xf32, #tpu.memory_space<vmem_shared>>) offsets(%dma_start3A_327 : memref<128xi32, #tpu.memory_space<vmem>>) semaphore(%arg13 : memref<!tpu.dma_semaphore, #tpu.memory_space<semaphore_mem>>) {add = true}
      %dma_start3A_331 = arith.constant 256 : i32
      %dma_start3A_332 = arith.constant 0 : i32
      %dma_start3A_333 = tpu.memref_slice %arg8[%dma_start3A_331, %dma_start3A_332] : memref<384x48xf32, #tpu.memory_space<vmem>> -> memref<128x48xf32, #tpu.memory_space<vmem>>
      %dma_start3A_334 = arith.constant 0 : i32
      %dma_start3A_335 = tpu.memref_slice %arg6[%add3A_312, %dma_start3A_334] : memref<79x128xi32, #tpu.memory_space<vmem>> -> memref<1x128xi32, #tpu.memory_space<vmem>>
      %dma_start3A_336 = tpu.memref_squeeze %dma_start3A_335 : memref<1x128xi32, #tpu.memory_space<vmem>> -> memref<128xi32, #tpu.memory_space<vmem>>
      %dma_start3A_337 = arith.constant 0 : i32
      %dma_start3A_338 = arith.constant 0 : i32
      %dma_start3A_339 = tpu.memref_slice %arg9[%dma_start3A_337, %dma_start3A_338] : memref<10240x48xf32, #tpu.memory_space<vmem_shared>> -> memref<10240x48xf32, #tpu.memory_space<vmem_shared>>
      tpu.enqueue_indirect_dma source(%dma_start3A_333 : memref<128x48xf32, #tpu.memory_space<vmem>>) target(%dma_start3A_339 : memref<10240x48xf32, #tpu.memory_space<vmem_shared>>) offsets(%dma_start3A_336 : memref<128xi32, #tpu.memory_space<vmem>>) semaphore(%arg13 : memref<!tpu.dma_semaphore, #tpu.memory_space<semaphore_mem>>) {add = true}
    }
    %scan3A_50 = arith.constant 13 : i32
    %dma_wait3A = arith.constant 75 : i32
    %dma_wait3A_51 = arith.constant 0 : i32
    %dma_wait3A_52 = arith.constant 0 : i32
    %dma_wait3A_53 = tpu.memref_slice %arg8[%dma_wait3A_51, %dma_wait3A_52] : memref<384x48xf32, #tpu.memory_space<vmem>> -> memref<128x48xf32, #tpu.memory_space<vmem>>
    %dma_wait3A_54 = arith.constant 0 : i32
    %dma_wait3A_55 = tpu.memref_slice %arg6[%dma_wait3A, %dma_wait3A_54] : memref<79x128xi32, #tpu.memory_space<vmem>> -> memref<1x128xi32, #tpu.memory_space<vmem>>
    %dma_wait3A_56 = tpu.memref_squeeze %dma_wait3A_55 : memref<1x128xi32, #tpu.memory_space<vmem>> -> memref<128xi32, #tpu.memory_space<vmem>>
    %dma_wait3A_57 = arith.constant 0 : i32
    %dma_wait3A_58 = arith.constant 0 : i32
    %dma_wait3A_59 = tpu.memref_slice %arg9[%dma_wait3A_57, %dma_wait3A_58] : memref<10240x48xf32, #tpu.memory_space<vmem_shared>> -> memref<10240x48xf32, #tpu.memory_space<vmem_shared>>
    tpu.wait_indirect_dma semaphore(%arg13 : memref<!tpu.dma_semaphore, #tpu.memory_space<semaphore_mem>>) src(%dma_wait3A_53 : memref<128x48xf32, #tpu.memory_space<vmem>>) dst(%dma_wait3A_59 : memref<10240x48xf32, #tpu.memory_space<vmem_shared>>)
    %dma_wait3A_60 = arith.constant 76 : i32
    %dma_wait3A_61 = arith.constant 128 : i32
    %dma_wait3A_62 = arith.constant 0 : i32
    %dma_wait3A_63 = tpu.memref_slice %arg8[%dma_wait3A_61, %dma_wait3A_62] : memref<384x48xf32, #tpu.memory_space<vmem>> -> memref<128x48xf32, #tpu.memory_space<vmem>>
    %dma_wait3A_64 = arith.constant 0 : i32
    %dma_wait3A_65 = tpu.memref_slice %arg6[%dma_wait3A_60, %dma_wait3A_64] : memref<79x128xi32, #tpu.memory_space<vmem>> -> memref<1x128xi32, #tpu.memory_space<vmem>>
    %dma_wait3A_66 = tpu.memref_squeeze %dma_wait3A_65 : memref<1x128xi32, #tpu.memory_space<vmem>> -> memref<128xi32, #tpu.memory_space<vmem>>
    %dma_wait3A_67 = arith.constant 0 : i32
    %dma_wait3A_68 = arith.constant 0 : i32
    %dma_wait3A_69 = tpu.memref_slice %arg9[%dma_wait3A_67, %dma_wait3A_68] : memref<10240x48xf32, #tpu.memory_space<vmem_shared>> -> memref<10240x48xf32, #tpu.memory_space<vmem_shared>>
    tpu.wait_indirect_dma semaphore(%arg13 : memref<!tpu.dma_semaphore, #tpu.memory_space<semaphore_mem>>) src(%dma_wait3A_63 : memref<128x48xf32, #tpu.memory_space<vmem>>) dst(%dma_wait3A_69 : memref<10240x48xf32, #tpu.memory_space<vmem_shared>>)
    %dma_wait3A_70 = arith.constant 77 : i32
    %dma_wait3A_71 = arith.constant 256 : i32
    %dma_wait3A_72 = arith.constant 0 : i32
    %dma_wait3A_73 = tpu.memref_slice %arg8[%dma_wait3A_71, %dma_wait3A_72] : memref<384x48xf32, #tpu.memory_space<vmem>> -> memref<128x48xf32, #tpu.memory_space<vmem>>
    %dma_wait3A_74 = arith.constant 0 : i32
    %dma_wait3A_75 = tpu.memref_slice %arg6[%dma_wait3A_70, %dma_wait3A_74] : memref<79x128xi32, #tpu.memory_space<vmem>> -> memref<1x128xi32, #tpu.memory_space<vmem>>
    %dma_wait3A_76 = tpu.memref_squeeze %dma_wait3A_75 : memref<1x128xi32, #tpu.memory_space<vmem>> -> memref<128xi32, #tpu.memory_space<vmem>>
    %dma_wait3A_77 = arith.constant 0 : i32
    %dma_wait3A_78 = arith.constant 0 : i32
    %dma_wait3A_79 = tpu.memref_slice %arg9[%dma_wait3A_77, %dma_wait3A_78] : memref<10240x48xf32, #tpu.memory_space<vmem_shared>> -> memref<10240x48xf32, #tpu.memory_space<vmem_shared>>
    tpu.wait_indirect_dma semaphore(%arg13 : memref<!tpu.dma_semaphore, #tpu.memory_space<semaphore_mem>>) src(%dma_wait3A_73 : memref<128x48xf32, #tpu.memory_space<vmem>>) dst(%dma_wait3A_79 : memref<10240x48xf32, #tpu.memory_space<vmem_shared>>)
    %lt3A_80 = arith.constant 4 : i32
    %lt3A_81 = arith.cmpi slt, %add3A, %lt3A_80 : i32
    %convert_element_type3A_82 = arith.extui %lt3A_81 : i1 to i32
    %cond3A_83 = arith.constant 0 : i32
    %cond3A_84 = arith.cmpi ne, %convert_element_type3A_82, %cond3A_83 : i32
    scf.if %cond3A_84 {
      %dma_start3A_90 = arith.constant 78 : i32
      %dma_start3A_91 = arith.constant 0 : i32
      %dma_start3A_92 = arith.constant 0 : i32
      %dma_start3A_93 = tpu.memref_slice %arg7[%dma_start3A_91, %dma_start3A_92] : memref<384x48xf32, #tpu.memory_space<vmem>> -> memref<128x48xf32, #tpu.memory_space<vmem>>
      %dma_start3A_94 = arith.constant 0 : i32
      %dma_start3A_95 = tpu.memref_slice %arg5[%dma_start3A_90, %dma_start3A_94] : memref<79x128xi32, #tpu.memory_space<vmem>> -> memref<1x128xi32, #tpu.memory_space<vmem>>
      %dma_start3A_96 = tpu.memref_squeeze %dma_start3A_95 : memref<1x128xi32, #tpu.memory_space<vmem>> -> memref<128xi32, #tpu.memory_space<vmem>>
      %dma_start3A_97 = arith.constant 0 : i32
      %dma_start3A_98 = arith.constant 0 : i32
      %dma_start3A_99 = tpu.memref_slice %arg2[%dma_start3A_97, %dma_start3A_98] : memref<10000x48xf32, #tpu.memory_space<hbm>> -> memref<10000x48xf32, #tpu.memory_space<hbm>>
      tpu.enqueue_indirect_dma source(%dma_start3A_99 : memref<10000x48xf32, #tpu.memory_space<hbm>>) target(%dma_start3A_93 : memref<128x48xf32, #tpu.memory_space<vmem>>) offsets(%dma_start3A_96 : memref<128xi32, #tpu.memory_space<vmem>>) semaphore(%arg10 : memref<!tpu.dma_semaphore, #tpu.memory_space<semaphore_mem>>)
      %dma_wait3A_100 = arith.constant 78 : i32
      %dma_wait3A_101 = arith.constant 0 : i32
      %dma_wait3A_102 = arith.constant 0 : i32
      %dma_wait3A_103 = tpu.memref_slice %arg7[%dma_wait3A_101, %dma_wait3A_102] : memref<384x48xf32, #tpu.memory_space<vmem>> -> memref<128x48xf32, #tpu.memory_space<vmem>>
      %dma_wait3A_104 = arith.constant 0 : i32
      %dma_wait3A_105 = tpu.memref_slice %arg5[%dma_wait3A_100, %dma_wait3A_104] : memref<79x128xi32, #tpu.memory_space<vmem>> -> memref<1x128xi32, #tpu.memory_space<vmem>>
      %dma_wait3A_106 = tpu.memref_squeeze %dma_wait3A_105 : memref<1x128xi32, #tpu.memory_space<vmem>> -> memref<128xi32, #tpu.memory_space<vmem>>
      %dma_wait3A_107 = arith.constant 0 : i32
      %dma_wait3A_108 = arith.constant 0 : i32
      %dma_wait3A_109 = tpu.memref_slice %arg2[%dma_wait3A_107, %dma_wait3A_108] : memref<10000x48xf32, #tpu.memory_space<hbm>> -> memref<10000x48xf32, #tpu.memory_space<hbm>>
      tpu.wait_indirect_dma semaphore(%arg10 : memref<!tpu.dma_semaphore, #tpu.memory_space<semaphore_mem>>) src(%dma_wait3A_109 : memref<10000x48xf32, #tpu.memory_space<hbm>>) dst(%dma_wait3A_103 : memref<128x48xf32, #tpu.memory_space<vmem>>)
      %dma_start3A_110 = arith.constant 78 : i32
      %dma_start3A_111 = arith.constant 0 : i32
      %dma_start3A_112 = arith.constant 0 : i32
      %dma_start3A_113 = tpu.memref_slice %arg7[%dma_start3A_111, %dma_start3A_112] : memref<384x48xf32, #tpu.memory_space<vmem>> -> memref<128x48xf32, #tpu.memory_space<vmem>>
      %dma_start3A_114 = arith.constant 0 : i32
      %dma_start3A_115 = tpu.memref_slice %arg6[%dma_start3A_110, %dma_start3A_114] : memref<79x128xi32, #tpu.memory_space<vmem>> -> memref<1x128xi32, #tpu.memory_space<vmem>>
      %dma_start3A_116 = tpu.memref_squeeze %dma_start3A_115 : memref<1x128xi32, #tpu.memory_space<vmem>> -> memref<128xi32, #tpu.memory_space<vmem>>
      %dma_start3A_117 = arith.constant 0 : i32
      %dma_start3A_118 = arith.constant 0 : i32
      %dma_start3A_119 = tpu.memref_slice %arg9[%dma_start3A_117, %dma_start3A_118] : memref<10240x48xf32, #tpu.memory_space<vmem_shared>> -> memref<10240x48xf32, #tpu.memory_space<vmem_shared>>
      tpu.enqueue_indirect_dma source(%dma_start3A_113 : memref<128x48xf32, #tpu.memory_space<vmem>>) target(%dma_start3A_119 : memref<10240x48xf32, #tpu.memory_space<vmem_shared>>) offsets(%dma_start3A_116 : memref<128xi32, #tpu.memory_space<vmem>>) semaphore(%arg12 : memref<!tpu.dma_semaphore, #tpu.memory_space<semaphore_mem>>) {add = true}
      %dma_wait3A_120 = arith.constant 78 : i32
      %dma_wait3A_121 = arith.constant 0 : i32
      %dma_wait3A_122 = arith.constant 0 : i32
      %dma_wait3A_123 = tpu.memref_slice %arg7[%dma_wait3A_121, %dma_wait3A_122] : memref<384x48xf32, #tpu.memory_space<vmem>> -> memref<128x48xf32, #tpu.memory_space<vmem>>
      %dma_wait3A_124 = arith.constant 0 : i32
      %dma_wait3A_125 = tpu.memref_slice %arg6[%dma_wait3A_120, %dma_wait3A_124] : memref<79x128xi32, #tpu.memory_space<vmem>> -> memref<1x128xi32, #tpu.memory_space<vmem>>
      %dma_wait3A_126 = tpu.memref_squeeze %dma_wait3A_125 : memref<1x128xi32, #tpu.memory_space<vmem>> -> memref<128xi32, #tpu.memory_space<vmem>>
      %dma_wait3A_127 = arith.constant 0 : i32
      %dma_wait3A_128 = arith.constant 0 : i32
      %dma_wait3A_129 = tpu.memref_slice %arg9[%dma_wait3A_127, %dma_wait3A_128] : memref<10240x48xf32, #tpu.memory_space<vmem_shared>> -> memref<10240x48xf32, #tpu.memory_space<vmem_shared>>
      tpu.wait_indirect_dma semaphore(%arg12 : memref<!tpu.dma_semaphore, #tpu.memory_space<semaphore_mem>>) src(%dma_wait3A_123 : memref<128x48xf32, #tpu.memory_space<vmem>>) dst(%dma_wait3A_129 : memref<10240x48xf32, #tpu.memory_space<vmem_shared>>)
    } else {
    }
    %barrier3A_85 = arith.constant 0 : index
    tpu.barrier barrier_id(%barrier3A_85)
    "tpu.region"() ({
      %run_scoped3A_90 = tpu.sem_alloc : memref<!tpu.dma_semaphore, #tpu.memory_space<semaphore_mem>>
      %dma_start3A_91 = arith.constant 0 : i32
      %dma_start3A_92 = tpu.memref_slice %arg9[%mul3A_2, %dma_start3A_91] : memref<10240x48xf32, #tpu.memory_space<vmem_shared>> -> memref<384x48xf32, #tpu.memory_space<vmem_shared>>
      %dma_start3A_93 = arith.constant 0 : i32
      %dma_start3A_94 = tpu.memref_slice %arg9[%mul3A_2, %dma_start3A_93] : memref<10240x48xf32, #tpu.memory_space<vmem_shared>> -> memref<384x48xf32, #tpu.memory_space<vmem_shared>>
      tpu.enqueue_dma source(%dma_start3A_94 : memref<384x48xf32, #tpu.memory_space<vmem_shared>>) target(%arg7 : memref<384x48xf32, #tpu.memory_space<vmem>>) target_semaphore(%run_scoped3A_90 : memref<!tpu.dma_semaphore, #tpu.memory_space<semaphore_mem>>)
      %dma_wait3A_95 = arith.constant 0 : i32
      %dma_wait3A_96 = tpu.memref_slice %arg9[%mul3A_2, %dma_wait3A_95] : memref<10240x48xf32, #tpu.memory_space<vmem_shared>> -> memref<384x48xf32, #tpu.memory_space<vmem_shared>>
      %dma_wait3A_97 = arith.constant 0 : i32
      %dma_wait3A_98 = tpu.memref_slice %arg9[%mul3A_2, %dma_wait3A_97] : memref<10240x48xf32, #tpu.memory_space<vmem_shared>> -> memref<384x48xf32, #tpu.memory_space<vmem_shared>>
      tpu.wait_dma2 semaphore(%run_scoped3A_90 : memref<!tpu.dma_semaphore, #tpu.memory_space<semaphore_mem>>) src(%dma_wait3A_98 : memref<384x48xf32, #tpu.memory_space<vmem_shared>>) dst(%arg7 : memref<384x48xf32, #tpu.memory_space<vmem>>)
      tpu.yield
    }) : () -> ()
    "tpu.region"() ({
      %run_scoped3A_90 = tpu.sem_alloc : memref<!tpu.dma_semaphore, #tpu.memory_space<semaphore_mem>>
      %dma_start3A_91 = arith.constant 0 : i32
      %dma_start3A_92 = tpu.memref_slice %arg4[%arg0, %mul3A_2, %dma_start3A_91] : memref<2x10240x48xf32, #tpu.memory_space<hbm>> -> memref<1x384x48xf32, #tpu.memory_space<hbm>>
      %dma_start3A_93 = tpu.memref_squeeze %dma_start3A_92 : memref<1x384x48xf32, #tpu.memory_space<hbm>> -> memref<384x48xf32, #tpu.memory_space<hbm>>
      %dma_start3A_94 = arith.constant 0 : i32
      %dma_start3A_95 = tpu.memref_slice %arg4[%arg0, %mul3A_2, %dma_start3A_94] : memref<2x10240x48xf32, #tpu.memory_space<hbm>> -> memref<1x384x48xf32, #tpu.memory_space<hbm>>
      %dma_start3A_96 = tpu.memref_squeeze %dma_start3A_95 : memref<1x384x48xf32, #tpu.memory_space<hbm>> -> memref<384x48xf32, #tpu.memory_space<hbm>>
      tpu.enqueue_dma source(%arg7 : memref<384x48xf32, #tpu.memory_space<vmem>>) target(%dma_start3A_96 : memref<384x48xf32, #tpu.memory_space<hbm>>) target_semaphore(%run_scoped3A_90 : memref<!tpu.dma_semaphore, #tpu.memory_space<semaphore_mem>>)
      %dma_wait3A_97 = arith.constant 0 : i32
      %dma_wait3A_98 = tpu.memref_slice %arg4[%arg0, %mul3A_2, %dma_wait3A_97] : memref<2x10240x48xf32, #tpu.memory_space<hbm>> -> memref<1x384x48xf32, #tpu.memory_space<hbm>>
      %dma_wait3A_99 = tpu.memref_squeeze %dma_wait3A_98 : memref<1x384x48xf32, #tpu.memory_space<hbm>> -> memref<384x48xf32, #tpu.memory_space<hbm>>
      %dma_wait3A_100 = arith.constant 0 : i32
      %dma_wait3A_101 = tpu.memref_slice %arg4[%arg0, %mul3A_2, %dma_wait3A_100] : memref<2x10240x48xf32, #tpu.memory_space<hbm>> -> memref<1x384x48xf32, #tpu.memory_space<hbm>>
      %dma_wait3A_102 = tpu.memref_squeeze %dma_wait3A_101 : memref<1x384x48xf32, #tpu.memory_space<hbm>> -> memref<384x48xf32, #tpu.memory_space<hbm>>
      tpu.wait_dma2 semaphore(%run_scoped3A_90 : memref<!tpu.dma_semaphore, #tpu.memory_space<semaphore_mem>>) src(%arg7 : memref<384x48xf32, #tpu.memory_space<vmem>>) dst(%dma_wait3A_102 : memref<384x48xf32, #tpu.memory_space<hbm>>)
      tpu.yield
    }) : () -> ()
    %add3A_86 = arith.constant 384 : i32
    %add3A_87 = arith.addi %mul3A_2, %add3A_86 : i32
    "tpu.region"() ({
      %run_scoped3A_90 = tpu.sem_alloc : memref<!tpu.dma_semaphore, #tpu.memory_space<semaphore_mem>>
      %dma_start3A_91 = arith.constant 0 : i32
      %dma_start3A_92 = arith.constant 0 : i32
      %dma_start3A_93 = tpu.memref_slice %arg8[%dma_start3A_91, %dma_start3A_92] : memref<384x48xf32, #tpu.memory_space<vmem>> -> memref<256x48xf32, #tpu.memory_space<vmem>>
      %dma_start3A_94 = arith.constant 0 : i32
      %dma_start3A_95 = tpu.memref_slice %arg9[%add3A_87, %dma_start3A_94] : memref<10240x48xf32, #tpu.memory_space<vmem_shared>> -> memref<256x48xf32, #tpu.memory_space<vmem_shared>>
      %dma_start3A_96 = arith.constant 0 : i32
      %dma_start3A_97 = arith.constant 0 : i32
      %dma_start3A_98 = tpu.memref_slice %arg8[%dma_start3A_96, %dma_start3A_97] : memref<384x48xf32, #tpu.memory_space<vmem>> -> memref<256x48xf32, #tpu.memory_space<vmem>>
      %dma_start3A_99 = arith.constant 0 : i32
      %dma_start3A_100 = tpu.memref_slice %arg9[%add3A_87, %dma_start3A_99] : memref<10240x48xf32, #tpu.memory_space<vmem_shared>> -> memref<256x48xf32, #tpu.memory_space<vmem_shared>>
      tpu.enqueue_dma source(%dma_start3A_100 : memref<256x48xf32, #tpu.memory_space<vmem_shared>>) target(%dma_start3A_98 : memref<256x48xf32, #tpu.memory_space<vmem>>) target_semaphore(%run_scoped3A_90 : memref<!tpu.dma_semaphore, #tpu.memory_space<semaphore_mem>>)
      %dma_wait3A_101 = arith.constant 0 : i32
      %dma_wait3A_102 = arith.constant 0 : i32
      %dma_wait3A_103 = tpu.memref_slice %arg8[%dma_wait3A_101, %dma_wait3A_102] : memref<384x48xf32, #tpu.memory_space<vmem>> -> memref<256x48xf32, #tpu.memory_space<vmem>>
      %dma_wait3A_104 = arith.constant 0 : i32
      %dma_wait3A_105 = tpu.memref_slice %arg9[%add3A_87, %dma_wait3A_104] : memref<10240x48xf32, #tpu.memory_space<vmem_shared>> -> memref<256x48xf32, #tpu.memory_space<vmem_shared>>
      %dma_wait3A_106 = arith.constant 0 : i32
      %dma_wait3A_107 = arith.constant 0 : i32
      %dma_wait3A_108 = tpu.memref_slice %arg8[%dma_wait3A_106, %dma_wait3A_107] : memref<384x48xf32, #tpu.memory_space<vmem>> -> memref<256x48xf32, #tpu.memory_space<vmem>>
      %dma_wait3A_109 = arith.constant 0 : i32
      %dma_wait3A_110 = tpu.memref_slice %arg9[%add3A_87, %dma_wait3A_109] : memref<10240x48xf32, #tpu.memory_space<vmem_shared>> -> memref<256x48xf32, #tpu.memory_space<vmem_shared>>
      tpu.wait_dma2 semaphore(%run_scoped3A_90 : memref<!tpu.dma_semaphore, #tpu.memory_space<semaphore_mem>>) src(%dma_wait3A_110 : memref<256x48xf32, #tpu.memory_space<vmem_shared>>) dst(%dma_wait3A_108 : memref<256x48xf32, #tpu.memory_space<vmem>>)
      tpu.yield
    }) : () -> ()
    %add3A_88 = arith.constant 384 : i32
    %add3A_89 = arith.addi %mul3A_2, %add3A_88 : i32
    "tpu.region"() ({
      %run_scoped3A_90 = tpu.sem_alloc : memref<!tpu.dma_semaphore, #tpu.memory_space<semaphore_mem>>
      %dma_start3A_91 = arith.constant 0 : i32
      %dma_start3A_92 = arith.constant 0 : i32
      %dma_start3A_93 = tpu.memref_slice %arg8[%dma_start3A_91, %dma_start3A_92] : memref<384x48xf32, #tpu.memory_space<vmem>> -> memref<256x48xf32, #tpu.memory_space<vmem>>
      %dma_start3A_94 = arith.constant 0 : i32
      %dma_start3A_95 = tpu.memref_slice %arg4[%arg0, %add3A_89, %dma_start3A_94] : memref<2x10240x48xf32, #tpu.memory_space<hbm>> -> memref<1x256x48xf32, #tpu.memory_space<hbm>>
      %dma_start3A_96 = tpu.memref_squeeze %dma_start3A_95 : memref<1x256x48xf32, #tpu.memory_space<hbm>> -> memref<256x48xf32, #tpu.memory_space<hbm>>
      %dma_start3A_97 = arith.constant 0 : i32
      %dma_start3A_98 = tpu.memref_slice %arg4[%arg0, %add3A_89, %dma_start3A_97] : memref<2x10240x48xf32, #tpu.memory_space<hbm>> -> memref<1x256x48xf32, #tpu.memory_space<hbm>>
      %dma_start3A_99 = tpu.memref_squeeze %dma_start3A_98 : memref<1x256x48xf32, #tpu.memory_space<hbm>> -> memref<256x48xf32, #tpu.memory_space<hbm>>
      %dma_start3A_100 = arith.constant 0 : i32
      %dma_start3A_101 = arith.constant 0 : i32
      %dma_start3A_102 = tpu.memref_slice %arg8[%dma_start3A_100, %dma_start3A_101] : memref<384x48xf32, #tpu.memory_space<vmem>> -> memref<256x48xf32, #tpu.memory_space<vmem>>
      tpu.enqueue_dma source(%dma_start3A_102 : memref<256x48xf32, #tpu.memory_space<vmem>>) target(%dma_start3A_99 : memref<256x48xf32, #tpu.memory_space<hbm>>) target_semaphore(%run_scoped3A_90 : memref<!tpu.dma_semaphore, #tpu.memory_space<semaphore_mem>>)
      %dma_wait3A_103 = arith.constant 0 : i32
      %dma_wait3A_104 = arith.constant 0 : i32
      %dma_wait3A_105 = tpu.memref_slice %arg8[%dma_wait3A_103, %dma_wait3A_104] : memref<384x48xf32, #tpu.memory_space<vmem>> -> memref<256x48xf32, #tpu.memory_space<vmem>>
      %dma_wait3A_106 = arith.constant 0 : i32
      %dma_wait3A_107 = tpu.memref_slice %arg4[%arg0, %add3A_89, %dma_wait3A_106] : memref<2x10240x48xf32, #tpu.memory_space<hbm>> -> memref<1x256x48xf32, #tpu.memory_space<hbm>>
      %dma_wait3A_108 = tpu.memref_squeeze %dma_wait3A_107 : memref<1x256x48xf32, #tpu.memory_space<hbm>> -> memref<256x48xf32, #tpu.memory_space<hbm>>
      %dma_wait3A_109 = arith.constant 0 : i32
      %dma_wait3A_110 = tpu.memref_slice %arg4[%arg0, %add3A_89, %dma_wait3A_109] : memref<2x10240x48xf32, #tpu.memory_space<hbm>> -> memref<1x256x48xf32, #tpu.memory_space<hbm>>
      %dma_wait3A_111 = tpu.memref_squeeze %dma_wait3A_110 : memref<1x256x48xf32, #tpu.memory_space<hbm>> -> memref<256x48xf32, #tpu.memory_space<hbm>>
      %dma_wait3A_112 = arith.constant 0 : i32
      %dma_wait3A_113 = arith.constant 0 : i32
      %dma_wait3A_114 = tpu.memref_slice %arg8[%dma_wait3A_112, %dma_wait3A_113] : memref<384x48xf32, #tpu.memory_space<vmem>> -> memref<256x48xf32, #tpu.memory_space<vmem>>
      tpu.wait_dma2 semaphore(%run_scoped3A_90 : memref<!tpu.dma_semaphore, #tpu.memory_space<semaphore_mem>>) src(%dma_wait3A_114 : memref<256x48xf32, #tpu.memory_space<vmem>>) dst(%dma_wait3A_111 : memref<256x48xf32, #tpu.memory_space<hbm>>)
      tpu.yield
    }) : () -> ()
    return
  }
}

module attributes {stable_mosaic.version = 14 : i64} {
  func.func @_proj1_body(%arg0: memref<10000x128xf32, #tpu.memory_space<vmem>>, %arg1: memref<128x32xf32, #tpu.memory_space<vmem>>, %arg2: memref<10000x48xf32, #tpu.memory_space<vmem>>) attributes {dimension_semantics = [], scalar_prefetch = 0 : i64, scratch_operands = 0 : i64, tpu.core_type = #tpu.core_type<tc>} {
    %get3A = arith.constant 0 : index
    %get3A_0 = arith.constant 0 : index
    %get3A_1 = vector.load %arg0[%get3A, %get3A_0] : memref<10000x128xf32, #tpu.memory_space<vmem>>, vector<10000x128xf32>
    %get3A_2 = arith.constant 0 : index
    %get3A_3 = arith.constant 0 : index
    %get3A_4 = vector.load %arg1[%get3A_2, %get3A_3] : memref<128x32xf32, #tpu.memory_space<vmem>>, vector<128x32xf32>
    %dot_general3A = arith.constant dense<0.000000e+00> : vector<10000x32xf32>
    %dot_general3A_5 = tpu.matmul %get3A_1, %get3A_4, %dot_general3A {dimension_numbers = #tpu.dot_dimension_numbers<[1], [0], [0], [1], [0, 0, 1, 1], [], []>, precision = #tpu.contract_precision<fp32>, transpose_lhs_hint = false} : vector<10000x128xf32>, vector<128x32xf32>, vector<10000x32xf32> -> vector<10000x32xf32>
    %broadcast_in_dim3A = arith.constant 1.000000e+00 : f32
    %broadcast_in_dim3A_6 = vector.broadcast %broadcast_in_dim3A : f32 to vector<10000x1xf32>
    %broadcast_in_dim3A_7 = arith.constant 0.000000e+00 : f32
    %broadcast_in_dim3A_8 = vector.broadcast %broadcast_in_dim3A_7 : f32 to vector<10000x15xf32>
    %concatenate3A = tpu.concatenate %dot_general3A_5, %broadcast_in_dim3A_6, %broadcast_in_dim3A_8 in 1 : vector<10000x32xf32>, vector<10000x1xf32>, vector<10000x15xf32> -> vector<10000x48xf32>
    %swap3A = arith.constant 0 : index
    %swap3A_9 = arith.constant 0 : index
    %swap3A_10 = vector.load %arg2[%swap3A, %swap3A_9] : memref<10000x48xf32, #tpu.memory_space<vmem>>, vector<10000x48xf32>
    tpu.vector_store %arg2[%swap3A, %swap3A_9], %concatenate3A {strides = array<i32>} : memref<10000x48xf32, #tpu.memory_space<vmem>>, vector<10000x48xf32>,
    return
  }
}

module attributes {stable_mosaic.version = 14 : i64} {
  func.func @_proj2_body(%arg0: memref<10000x128xf32, #tpu.memory_space<vmem>>, %arg1: memref<128x32xf32, #tpu.memory_space<vmem>>, %arg2: memref<32x10000xf32, #tpu.memory_space<vmem>>) attributes {dimension_semantics = [], scalar_prefetch = 0 : i64, scratch_operands = 0 : i64, tpu.core_type = #tpu.core_type<tc>} {
    %get3A = arith.constant 0 : index
    %get3A_0 = arith.constant 0 : index
    %get3A_1 = vector.load %arg1[%get3A, %get3A_0] : memref<128x32xf32, #tpu.memory_space<vmem>>, vector<128x32xf32>
    %get3A_2 = arith.constant 0 : index
    %get3A_3 = arith.constant 0 : index
    %get3A_4 = vector.load %arg0[%get3A_2, %get3A_3] : memref<10000x128xf32, #tpu.memory_space<vmem>>, vector<10000x128xf32>
    %dot_general3A = arith.constant dense<0.000000e+00> : vector<32x10000xf32>
    %dot_general3A_5 = tpu.matmul %get3A_1, %get3A_4, %dot_general3A {dimension_numbers = #tpu.dot_dimension_numbers<[0], [1], [1], [0], [0, 1, 1, 0], [], []>, precision = #tpu.contract_precision<fp32>, transpose_lhs_hint = false} : vector<128x32xf32>, vector<10000x128xf32>, vector<32x10000xf32> -> vector<32x10000xf32>
    %swap3A = arith.constant 0 : index
    %swap3A_6 = arith.constant 0 : index
    %swap3A_7 = vector.load %arg2[%swap3A, %swap3A_6] : memref<32x10000xf32, #tpu.memory_space<vmem>>, vector<32x10000xf32>
    tpu.vector_store %arg2[%swap3A, %swap3A_6], %dot_general3A_5 {strides = array<i32>} : memref<32x10000xf32, #tpu.memory_space<vmem>>, vector<32x10000xf32>,
    return
  }
}

module attributes {stable_mosaic.version = 14 : i64} {
  func.func @_head_body(%arg0: memref<2x10240x48xf32, #tpu.memory_space<vmem>>, %arg1: memref<32x10000xf32, #tpu.memory_space<vmem>>, %arg2: memref<10000x1xi32, #tpu.memory_space<vmem>>, %arg3: memref<32x1xf32, #tpu.memory_space<vmem>>, %arg4: memref<32x1xf32, #tpu.memory_space<vmem>>, %arg5: memref<32x1xf32, #tpu.memory_space<vmem>>, %arg6: memref<32x16xf32, #tpu.memory_space<vmem>>, %arg7: memref<16x1xf32, #tpu.memory_space<vmem>>, %arg8: memref<16x2xf32, #tpu.memory_space<vmem>>, %arg9: memref<1x2xf32, #tpu.memory_space<vmem>>, %arg10: memref<32x1xf32, #tpu.memory_space<vmem>>, %arg11: memref<1x1xf32, #tpu.memory_space<vmem>>, %arg12: memref<64x2xf32, #tpu.memory_space<vmem>>, %arg13: memref<64x1xf32, #tpu.memory_space<vmem>>) attributes {dimension_semantics = [], scalar_prefetch = 0 : i64, scratch_operands = 0 : i64, tpu.core_type = #tpu.core_type<tc>} {
    %get3A = arith.constant 0 : index
    %get3A_0 = arith.constant 0 : index
    %get3A_1 = arith.constant 0 : index
    %get3A_2 = vector.load %arg0[%get3A, %get3A_0, %get3A_1] : memref<2x10240x48xf32, #tpu.memory_space<vmem>>, vector<1x10240x48xf32>
    %get3A_3 = vector.shape_cast %get3A_2 : vector<1x10240x48xf32> to vector<10240x48xf32>
    %get3A_4 = arith.constant 1 : index
    %get3A_5 = arith.constant 0 : index
    %get3A_6 = arith.constant 0 : index
    %get3A_7 = vector.load %arg0[%get3A_4, %get3A_5, %get3A_6] : memref<2x10240x48xf32, #tpu.memory_space<vmem>>, vector<1x10240x48xf32>
    %get3A_8 = vector.shape_cast %get3A_7 : vector<1x10240x48xf32> to vector<10240x48xf32>
    %add3A = arith.addf %get3A_3, %get3A_8 : vector<10240x48xf32>
    %transpose3A = tpu.transpose %add3A, [1, 0] : vector<10240x48xf32> -> vector<48x10240xf32>
    %slice3A = vector.extract_strided_slice %transpose3A {offsets = [0, 0], sizes = [32, 10000], strides = [1, 1]} : vector<48x10240xf32> to vector<32x10000xf32>
    %slice3A_9 = vector.extract_strided_slice %transpose3A {offsets = [32, 0], sizes = [1, 10000], strides = [1, 1]} : vector<48x10240xf32> to vector<1x10000xf32>
    %max3A = arith.constant 1.000000e+00 : f32
    %max3A_10 = vector.broadcast %max3A : f32 to vector<1x10000xf32>
    %max3A_11 = arith.maximumf %slice3A_9, %max3A_10 : vector<1x10000xf32>
    %div3A = vector.broadcast %max3A_11 : vector<1x10000xf32> to vector<32x10000xf32>
    %div3A_12 = arith.divf %slice3A, %div3A : vector<32x10000xf32>
    %get3A_13 = arith.constant 0 : index
    %get3A_14 = arith.constant 0 : index
    %get3A_15 = vector.load %arg1[%get3A_13, %get3A_14] : memref<32x10000xf32, #tpu.memory_space<vmem>>, vector<32x10000xf32>
    %add3A_16 = arith.addf %div3A_12, %get3A_15 : vector<32x10000xf32>
    %get3A_17 = arith.constant 0 : index
    %get3A_18 = arith.constant 0 : index
    %get3A_19 = vector.load %arg3[%get3A_17, %get3A_18] : memref<32x1xf32, #tpu.memory_space<vmem>>, vector<32x1xf32>
    %add3A_20 = vector.broadcast %get3A_19 : vector<32x1xf32> to vector<32x10000xf32>
    %add3A_21 = arith.addf %add3A_16, %add3A_20 : vector<32x10000xf32>
    %reduce_sum3A = arith.constant dense<0.000000e+00> : vector<32xf32>
    %reduce_sum3A_22 = vector.multi_reduction <add>, %add3A_21, %reduce_sum3A [1] : vector<32x10000xf32> to vector<32xf32>
    %broadcast_in_dim3A = vector.shape_cast %reduce_sum3A_22 : vector<32xf32> to vector<32x1xf32>
    %div3A_23 = arith.constant 1.000000e+04 : f32
    %div3A_24 = vector.broadcast %div3A_23 : f32 to vector<32x1xf32>
    %div3A_25 = arith.divf %broadcast_in_dim3A, %div3A_24 : vector<32x1xf32>
    %sub3A = vector.broadcast %div3A_25 : vector<32x1xf32> to vector<32x10000xf32>
    %sub3A_26 = arith.subf %add3A_21, %sub3A : vector<32x10000xf32>
    %integer_pow3A = arith.mulf %sub3A_26, %sub3A_26 : vector<32x10000xf32>
    %reduce_sum3A_27 = arith.constant dense<0.000000e+00> : vector<32xf32>
    %reduce_sum3A_28 = vector.multi_reduction <add>, %integer_pow3A, %reduce_sum3A_27 [1] : vector<32x10000xf32> to vector<32xf32>
    %broadcast_in_dim3A_29 = vector.shape_cast %reduce_sum3A_28 : vector<32xf32> to vector<32x1xf32>
    %div3A_30 = arith.constant 1.000000e+04 : f32
    %div3A_31 = vector.broadcast %div3A_30 : f32 to vector<32x1xf32>
    %div3A_32 = arith.divf %broadcast_in_dim3A_29, %div3A_31 : vector<32x1xf32>
    %sub3A_33 = vector.broadcast %div3A_25 : vector<32x1xf32> to vector<32x10000xf32>
    %sub3A_34 = arith.subf %add3A_21, %sub3A_33 : vector<32x10000xf32>
    %add3A_35 = arith.constant 9.99999974E-6 : f32
    %add3A_36 = vector.broadcast %add3A_35 : f32 to vector<32x1xf32>
    %add3A_37 = arith.addf %div3A_32, %add3A_36 : vector<32x1xf32>
    %rsqrt3A = math.rsqrt %add3A_37 : vector<32x1xf32>
    %mul3A = vector.broadcast %rsqrt3A : vector<32x1xf32> to vector<32x10000xf32>
    %mul3A_38 = arith.mulf %sub3A_34, %mul3A : vector<32x10000xf32>
    %get3A_39 = arith.constant 0 : index
    %get3A_40 = arith.constant 0 : index
    %get3A_41 = vector.load %arg4[%get3A_39, %get3A_40] : memref<32x1xf32, #tpu.memory_space<vmem>>, vector<32x1xf32>
    %mul3A_42 = vector.broadcast %get3A_41 : vector<32x1xf32> to vector<32x10000xf32>
    %mul3A_43 = arith.mulf %mul3A_38, %mul3A_42 : vector<32x10000xf32>
    %get3A_44 = arith.constant 0 : index
    %get3A_45 = arith.constant 0 : index
    %get3A_46 = vector.load %arg5[%get3A_44, %get3A_45] : memref<32x1xf32, #tpu.memory_space<vmem>>, vector<32x1xf32>
    %add3A_47 = vector.broadcast %get3A_46 : vector<32x1xf32> to vector<32x10000xf32>
    %add3A_48 = arith.addf %mul3A_43, %add3A_47 : vector<32x10000xf32>
    %max3A_49 = arith.constant 0.000000e+00 : f32
    %max3A_50 = vector.broadcast %max3A_49 : f32 to vector<32x10000xf32>
    %max3A_51 = arith.maximumf %add3A_48, %max3A_50 : vector<32x10000xf32>
    %iota3A = tpu.iota {dimensions = array<i32: 1>} : vector<10000x64xi32>
    %get3A_52 = arith.constant 0 : index
    %get3A_53 = arith.constant 0 : index
    %get3A_54 = vector.load %arg2[%get3A_52, %get3A_53] : memref<10000x1xi32, #tpu.memory_space<vmem>>, vector<10000x1xi32>
    %eq3A = vector.broadcast %get3A_54 : vector<10000x1xi32> to vector<10000x64xi32>
    %eq3A_55 = arith.cmpi eq, %eq3A, %iota3A : vector<10000x64xi32>
    %convert_element_type3A = arith.extui %eq3A_55 : vector<10000x64xi1> to vector<10000x64xi32>
    %convert_element_type3A_56 = arith.sitofp %convert_element_type3A : vector<10000x64xi32> to vector<10000x64xf32>
    %dot_general3A = arith.constant dense<0.000000e+00> : vector<32x64xf32>
    %dot_general3A_57 = tpu.matmul %max3A_51, %convert_element_type3A_56, %dot_general3A {dimension_numbers = #tpu.dot_dimension_numbers<[1], [0], [0], [1], [0, 0, 1, 1], [], []>, transpose_lhs_hint = false} : vector<32x10000xf32>, vector<10000x64xf32>, vector<32x64xf32> -> vector<32x64xf32>
    %broadcast_in_dim3A_58 = arith.constant 1.000000e+00 : f32
    %broadcast_in_dim3A_59 = vector.broadcast %broadcast_in_dim3A_58 : f32 to vector<1x10000xf32>
    %dot_general3A_60 = arith.constant dense<0.000000e+00> : vector<1x64xf32>
    %dot_general3A_61 = tpu.matmul %broadcast_in_dim3A_59, %convert_element_type3A_56, %dot_general3A_60 {dimension_numbers = #tpu.dot_dimension_numbers<[1], [0], [0], [1], [0, 0, 1, 1], [], []>, transpose_lhs_hint = false} : vector<1x10000xf32>, vector<10000x64xf32>, vector<1x64xf32> -> vector<1x64xf32>
    %max3A_62 = arith.constant 1.000000e+00 : f32
    %max3A_63 = vector.broadcast %max3A_62 : f32 to vector<1x64xf32>
    %max3A_64 = arith.maximumf %dot_general3A_61, %max3A_63 : vector<1x64xf32>
    %div3A_65 = vector.broadcast %max3A_64 : vector<1x64xf32> to vector<32x64xf32>
    %div3A_66 = arith.divf %dot_general3A_57, %div3A_65 : vector<32x64xf32>
    %get3A_67 = arith.constant 0 : index
    %get3A_68 = arith.constant 0 : index
    %get3A_69 = vector.load %arg6[%get3A_67, %get3A_68] : memref<32x16xf32, #tpu.memory_space<vmem>>, vector<32x16xf32>
    %dot_general3A_70 = arith.constant dense<0.000000e+00> : vector<16x64xf32>
    %dot_general3A_71 = tpu.matmul %get3A_69, %div3A_66, %dot_general3A_70 {dimension_numbers = #tpu.dot_dimension_numbers<[0], [0], [1], [1], [0, 1, 1, 1], [], []>, precision = #tpu.contract_precision<fp32>, transpose_lhs_hint = false} : vector<32x16xf32>, vector<32x64xf32>, vector<16x64xf32> -> vector<16x64xf32>
    %get3A_72 = arith.constant 0 : index
    %get3A_73 = arith.constant 0 : index
    %get3A_74 = vector.load %arg7[%get3A_72, %get3A_73] : memref<16x1xf32, #tpu.memory_space<vmem>>, vector<16x1xf32>
    %add3A_75 = vector.broadcast %get3A_74 : vector<16x1xf32> to vector<16x64xf32>
    %add3A_76 = arith.addf %dot_general3A_71, %add3A_75 : vector<16x64xf32>
    %max3A_77 = arith.constant 0.000000e+00 : f32
    %max3A_78 = vector.broadcast %max3A_77 : f32 to vector<16x64xf32>
    %max3A_79 = arith.maximumf %add3A_76, %max3A_78 : vector<16x64xf32>
    %get3A_80 = arith.constant 0 : index
    %get3A_81 = arith.constant 0 : index
    %get3A_82 = vector.load %arg8[%get3A_80, %get3A_81] : memref<16x2xf32, #tpu.memory_space<vmem>>, vector<16x2xf32>
    %dot_general3A_83 = arith.constant dense<0.000000e+00> : vector<64x2xf32>
    %dot_general3A_84 = tpu.matmul %max3A_79, %get3A_82, %dot_general3A_83 {dimension_numbers = #tpu.dot_dimension_numbers<[0], [0], [1], [1], [0, 1, 1, 1], [], []>, precision = #tpu.contract_precision<fp32>, transpose_lhs_hint = false} : vector<16x64xf32>, vector<16x2xf32>, vector<64x2xf32> -> vector<64x2xf32>
    %get3A_85 = arith.constant 0 : index
    %get3A_86 = arith.constant 0 : index
    %get3A_87 = vector.load %arg9[%get3A_85, %get3A_86] : memref<1x2xf32, #tpu.memory_space<vmem>>, vector<1x2xf32>
    %add3A_88 = vector.broadcast %get3A_87 : vector<1x2xf32> to vector<64x2xf32>
    %add3A_89 = arith.addf %dot_general3A_84, %add3A_88 : vector<64x2xf32>
    %swap3A = arith.constant 0 : index
    %swap3A_90 = arith.constant 0 : index
    %swap3A_91 = vector.load %arg12[%swap3A, %swap3A_90] : memref<64x2xf32, #tpu.memory_space<vmem>>, vector<64x2xf32>
    tpu.vector_store %arg12[%swap3A, %swap3A_90], %add3A_89 {strides = array<i32>} : memref<64x2xf32, #tpu.memory_space<vmem>>, vector<64x2xf32>,
    %get3A_92 = arith.constant 0 : index
    %get3A_93 = arith.constant 0 : index
    %get3A_94 = vector.load %arg10[%get3A_92, %get3A_93] : memref<32x1xf32, #tpu.memory_space<vmem>>, vector<32x1xf32>
    %dot_general3A_95 = arith.constant dense<0.000000e+00> : vector<64x1xf32>
    %dot_general3A_96 = tpu.matmul %div3A_66, %get3A_94, %dot_general3A_95 {dimension_numbers = #tpu.dot_dimension_numbers<[0], [0], [1], [1], [0, 1, 1, 1], [], []>, precision = #tpu.contract_precision<fp32>, transpose_lhs_hint = false} : vector<32x64xf32>, vector<32x1xf32>, vector<64x1xf32> -> vector<64x1xf32>
    %get3A_97 = arith.constant 0 : index
    %get3A_98 = arith.constant 0 : index
    %get3A_99 = vector.load %arg11[%get3A_97, %get3A_98] : memref<1x1xf32, #tpu.memory_space<vmem>>, vector<1x1xf32>
    %add3A_100 = vector.broadcast %get3A_99 : vector<1x1xf32> to vector<64x1xf32>
    %add3A_101 = arith.addf %dot_general3A_96, %add3A_100 : vector<64x1xf32>
    %neg3A = arith.constant 0.000000e+00 : f32
    %neg3A_102 = vector.broadcast %neg3A : f32 to vector<64x1xf32>
    %neg3A_103 = arith.subf %neg3A_102, %add3A_101 : vector<64x1xf32>
    %exp3A = math.exp %neg3A_103 : vector<64x1xf32>
    %add3A_104 = arith.constant 1.000000e+00 : f32
    %add3A_105 = vector.broadcast %add3A_104 : f32 to vector<64x1xf32>
    %add3A_106 = arith.addf %add3A_105, %exp3A : vector<64x1xf32>
    %div3A_107 = arith.constant 1.000000e+00 : f32
    %div3A_108 = vector.broadcast %div3A_107 : f32 to vector<64x1xf32>
    %div3A_109 = arith.divf %div3A_108, %add3A_106 : vector<64x1xf32>
    %swap3A_110 = arith.constant 0 : index
    %swap3A_111 = arith.constant 0 : index
    %swap3A_112 = vector.load %arg13[%swap3A_110, %swap3A_111] : memref<64x1xf32, #tpu.memory_space<vmem>>, vector<64x1xf32>
    tpu.vector_store %arg13[%swap3A_110, %swap3A_111], %div3A_109 {strides = array<i32>} : memref<64x1xf32, #tpu.memory_space<vmem>>, vector<64x1xf32>,
    return
  }
}

</mosaic_0001>

<sc_bundles>
// kernel: kernel.6.cloned.1.call-start
scs
__scs_entry_jumppad:
0x0: {  	(pc) =	sbr.rel $0x88, $3  }
0x1: {  	(tag) =	ssettag $0x0;
	lr =	simm.s32 $0x1  }
0x2: {  	[smem:$0x3F93] =	sst lr;
	_ =	strace $0xD0000000  }
0x3: {  	_ = 	snop  }
0x4: {  	_ = 	snop  }
0x5: {  	_ = 	snop  }
0x6: {  	_ = 	snop  }
0x7: {  	_ = 	snop  }
__scs_overlays_trampoline_lowered:
0x8: {  	[smem:$0x3FA2] =	sst s0  }
0x9: {  	[smem:$0x3FA3] =	sst s1  }
0xa: {  	[smem:$0x3FA4] =	sst s2  }
0xb: {  	[smem:$0x3FA5] =	sst s3  }
0xc: {  	[smem:$0x3FA6] =	sst s4  }
0xd: {  	[smem:$0x3FA7] =	sst s5  }
0xe: {  	[smem:$0x3FA8] =	sst s6  }
0xf: {  	[smem:$0x3FA9] =	sst s7  }
0x10: {  	[smem:$0x3FAA] =	sst s8  }
0x11: {  	[smem:$0x3FAB] =	sst s9;
	s0 =	simm.s32 @!p0 $0x0  }
0x12: {  	s1 =	sld [smem:$0x3F91];
	s0 =	simm.s32 @p0 $0x1  }
0x13: {  	[smem:$0x3FAC] =	sst s0;
	s0 =	simm.s32 @!p1 $0x0  }
0x14: {  	s2 =	sld [smem:$0x3F90];
	s0 =	simm.s32 @p1 $0x1  }
0x15: {  	[smem:$0x3FAD] =	sst s0;
	s0 =	simm.s32 @!p2 $0x0  }
0x16: {  	s3 =	sld [smem:$0x3FDB];
	s0 =	simm.s32 @p2 $0x1  }
0x17: {  	s4 =	simm.s32 $0x1BF5;
	[smem:$0x3FAF] =	sst s0  }
0x18: {  	s0 =	sld [smem:$0x3F92];
	_ =	swait.ge [sflag:s4], $0x0  }
0x19: {  	s7 =	sld [smem:$0x3F93]  }
0x1a: {  	s8 =	sadd.s32 $0xFFFFE003, lr  }
0x1b: {  	s9 =	sadd.s32 $0xFFFFFEF7, lr;
	s5 =	simm.s32 $0xFFFFFFFF;
	p2 =	slt.u32 s8, $0xFFFFF086  }
0x1c: {  	p1 =	slt.u32 s9, $0xF7A;
	s5 =	simm.s32 @!p2 $0x0  }
0x1d: {  	s5 =	simm.s32 @p1 $0x1;
	p0 =	seq.s32 s7, s2  }
0x1e: {  	s7 =	smul.u32 @!p0 $0xF7A, s2;
	p2 =	seq.s32 @!p0 s5, $0x0  }
0x1f: {  	s9 =	smul.u32 $0xF7A, s1;
	s8 =	simm.s32 @!p0 $0x1BF5;
	p2 =	por !p2, p0  }
0x20: {  	[sflag:s8] =	ssyncset.s32 @!p0 $0xFFFFF086;
	s6 =	sadd.s32 @!p0 s3, s7;
	s7 =	simm.s32 @!p0 $0x108  }
0x21: {  	s3 =	sadd.s32 s3, s9;
	s6 =	sadd.s32 @!p0 $0x88, s6;
	s7 =	simm.s32 @p2 $0x1082  }
0x22: {  	[simem:s7], [sflag:s8] =	dma.local @!p0 [hbm:s6], $0xF7A  }
0x23: {  	s9 =	sor.u32 $0xD0000000, s2;
	s6 =	simm.s32 $0x108;
	_ =	swait.ge @!p0 [sflag:s8], $0x0  }
0x24: {  	s3 =	sadd.s32 $0x88, s3;
	s6 =	simm.s32 @!p1 $0x1082;
	[sflag:s4] =	ssyncset.s32 $0xFFFFF086  }
0x25: {  	[simem:s6], [sflag:s4] =	dma.local [hbm:s3], $0xF7A  }
0x26: {  	[smem:$0x3F93] =	sst s1;
	(tag) =	ssettag s2;
	_ =	strace s9  }
0x27: {  	s1 =	sld [smem:$0x3FA3]  }
0x28: {  	s2 =	sld [smem:$0x3FA4]  }
0x29: {  	s4 =	sld [smem:$0x3FA6]  }
0x2a: {  	p0 =	seq.s32 s5, $0x0;
	s5 =	sld [smem:$0x3FA7]  }
0x2b: {  	s6 =	sld [smem:$0x3FA8]  }
0x2c: {  	s7 =	sld [smem:$0x3FA9]  }
0x2d: {  	s3 =	simm.s32 $0x108;
	s8 =	sld [smem:$0x3FAA]  }
0x2e: {  	s3 =	simm.s32 @!p0 $0x1082;
	s9 =	sld [smem:$0x3FAB]  }
0x2f: {  	lr =	sadd.s32 s0, s3;
	s0 =	sld [smem:$0x3FA2]  }
0x30: {  	s3 =	sld [smem:$0x3FA5]  }
0x31: {  	[smem:$0x3FAE] =	sst s10  }
0x32: {  	s10 =	sld [smem:$0x3FAC];
	_ =	sdelay $0x3  }
0x33: {  	p0 =	seq.s32 s10, $0x1;
	s10 =	sld [smem:$0x3FAE];
	_ =	sdelay $0x3  }
0x34: {  	[smem:$0x3FAE] =	sst s10  }
0x35: {  	s10 =	sld [smem:$0x3FAD];
	_ =	sdelay $0x3  }
0x36: {  	p1 =	seq.s32 s10, $0x1;
	s10 =	sld [smem:$0x3FAE];
	_ =	sdelay $0x3  }
0x37: {  	[smem:$0x3FAE] =	sst s10  }
0x38: {  	s10 =	sld [smem:$0x3FAF]  }
0x39: {  	_ = 	snop;
	(pc) =	sbr.ind lr, $3  }
0x3a: {  	_ = 	snop  }
0x3b: {  	_ = 	snop  }
0x3c: {  	p2 =	seq.s32 s10, $0x1;
	s10 =	sld [smem:$0x3FAE]  }
0x3d: {  	_ =	shalt  }
0x3e: {  	_ =	shalt  }
0x3f: {  	_ =	shalt  }
0x40: {  	_ =	shalt  }
0x41: {  	_ =	shalt  }
0x42: {  	_ =	shalt  }
0x43: {  	_ =	shalt  }
0x44: {  	_ =	shalt  }
0x45: {  	_ =	shalt  }
0x46: {  	_ =	shalt  }
0x47: {  	_ =	shalt  }
0x48: {  	_ =	shalt  }
0x49: {  	_ =	shalt  }
0x4a: {  	_ =	shalt  }
0x4b: {  	_ =	shalt  }
0x4c: {  	_ =	shalt  }
0x4d: {  	_ =	shalt  }
0x4e: {  	_ =	shalt  }
0x4f: {  	_ =	shalt  }
0x50: {  	_ =	shalt  }
0x51: {  	_ =	shalt  }
0x52: {  	_ =	shalt  }
0x53: {  	_ =	shalt  }
0x54: {  	_ =	shalt  }
0x55: {  	_ =	shalt  }
0x56: {  	_ =	shalt  }
0x57: {  	_ =	shalt  }
0x58: {  	_ =	shalt  }
0x59: {  	_ =	shalt  }
0x5a: {  	_ =	shalt  }
0x5b: {  	_ =	shalt  }
0x5c: {  	_ =	shalt  }
0x5d: {  	_ =	shalt  }
0x5e: {  	_ =	shalt  }
0x5f: {  	_ =	shalt  }
0x60: {  	_ =	shalt  }
0x61: {  	_ =	shalt  }
0x62: {  	_ =	shalt  }
0x63: {  	_ =	shalt  }
0x64: {  	_ =	shalt  }
0x65: {  	_ =	shalt  }
0x66: {  	_ =	shalt  }
0x67: {  	_ =	shalt  }
0x68: {  	_ =	shalt  }
0x69: {  	_ =	shalt  }
0x6a: {  	_ =	shalt  }
0x6b: {  	_ =	shalt  }
0x6c: {  	_ =	shalt  }
0x6d: {  	_ =	shalt  }
0x6e: {  	_ =	shalt  }
0x6f: {  	_ =	shalt  }
0x70: {  	_ =	shalt  }
0x71: {  	_ =	shalt  }
0x72: {  	_ =	shalt  }
0x73: {  	_ =	shalt  }
0x74: {  	_ =	shalt  }
0x75: {  	_ =	shalt  }
0x76: {  	_ =	shalt  }
0x77: {  	_ =	shalt  }
0x78: {  	_ =	shalt  }
0x79: {  	_ =	shalt  }
0x7a: {  	_ =	shalt  }
0x7b: {  	_ =	shalt  }
0x7c: {  	_ =	shalt  }
0x7d: {  	_ =	shalt  }
0x7e: {  	_ =	shalt  }
0x7f: {  	_ =	shalt  }
0x80: {  	_ =	shalt  }
0x81: {  	_ =	shalt  }
0x82: {  	_ =	shalt  }
0x83: {  	_ =	shalt  }
0x84: {  	_ =	shalt  }
0x85: {  	_ =	shalt  }
0x86: {  	_ =	shalt  }
0x87: {  	_ =	shalt  }
.Lfunc_end0:
.L_simem_size_0:
called_computation_lowered:
.L_overlay_start_0:
0x88: {  	s2 =	sld [smem:$0x3FD9]  }
0x89: {  	s3 =	sld [smem:$0x3FFE];
	_ =	sdelay $0x1  }
0x8a: {  	s1 =	srdreg.scid  }
0x8b: {  	s0 =	sand.u32 $0x1, s1  }
0x8c: {  	s16 =	sshll.u32 s0, $0xA;
	s2 =	sadd.s32 s3, s2  }
0x8d: {  	s2 =	sadd.s32 s2, s16  }
0x8e: {  	[smem:$0x3FBA] =	sst s2  }
0x8f: {  	_ = 	snop  }
0x90: {  	(tm) =	ssettm $0x1  }
0x91: {  	s17 =	sld [smem:$0x3FFB];
	_ =	sdelay $0x3  }
0x92: {  	_ =	strace s17  }
0x93: {  	s2 =	sld [smem:$0x3FFC];
	_ =	sdelay $0x3  }
0x94: {  	_ =	strace s2  }
0x95: {  	s2 =	sld [smem:$0x3FFD];
	_ =	sdelay $0x3  }
0x96: {  	_ =	strace s2  }
0x97: {  	_ =	strace $0x8FFFFFFF  }
0x98: {  	s18 =	sld [smem:$0x3FDB];
	_ =	sdelay $0x1  }
0x99: {  	s19 =	simm.s32 $_scs_section_size  }
0x9a: {  	s4 =	simm.s32 $_size__tile_overlayer_lowered;
	s5 =	simm.s32 $_tile_overlayer_lowered  }
0x9b: {  	s22 =	simm.s32 $0x1BFF;
	s21 =	sshll.u32 s5, $0x1;
	s2 =	sadd.s32 s19, s18  }
0x9c: {  	s6 =	simm.s32 $0x0;
	s20 =	sshll.u32 s4, $0x1;
	s4 =	sadd.s32 s21, s2  }
0x9d: {  	[timem:s6], [sflag:s22] =	dma.local [hbm:s4], s20  }
0x9e: {  	_ =	swait.ge [sflag:s22], s20  }
0x9f: {  	s3 =	ssub.s32 $0x0, s20;
	[sflag:s22] =	ssyncset.done $0x0  }
0xa0: {  	[sflag:s22] =	ssyncadd.s32 s3;
	_ =	sdelay $0x1  }
0xa1: {  	s23 =	simm.s32 $0x1B8B  }
0xa2: {  	_ =	swait.ge [sflag:s23], $0x1  }
0xa3: {  	[sflag:s23] =	ssyncset.done $0x0  }
0xa4: {  	s25 =	simm.s32 $0x1B8E;
	s24 =	sld [smem:$0x3FFE];
	[sflag:s23] =	ssyncadd.s32 $0xFFFFFFFF  }
0xa5: {  	s26 =	simm.s32 $execute0_lowered;
	[smem:$0x3FD2] =	sst s25  }
0xa6: {  	s4 =	sshll.u32 s26, $0x1;
	_ =	strace $0x80000046;
	[dreg:$0x1] =	wrdreg $0xFFFFFFFF  }
0xa7: {  	s28 =	simm.s32 $_size_execute0_lowered;
	s2 =	sadd.s32 s2, s4;
	[dreg:$0x0] =	wrdreg $0x0  }
0xa8: {  	s4 =	sshll.u32 s28, $0x1;
	[dreg:$0x2] =	wrdreg s2  }
0xa9: {  	[dreg:$0x3] =	wrdreg s4  }
0xaa: {  	[dreg:$0x4] =	wrdreg $0xC0  }
0xab: {  	_ =	task [dreg:s6], $0x5FFFF  }
0xac: {  	[dreg:$0x1] =	wrdreg $0xFFFFFFFF  }
0xad: {  	[dreg:$0x0] =	wrdreg $0x60  }
0xae: {  	[dreg:$0x2] =	wrdreg s24  }
0xaf: {  	[dreg:$0x3] =	wrdreg $0xDF000  }
0xb0: {  	[dreg:$0x4] =	wrdreg $0x9  }
0xb1: {  	_ =	task.clear_ibuf [dreg:s6], $0x5FFFF;
	_ =	strace $0x90000046  }
0xb2: {  	s29 =	simm.s32 $0x9;
	_ =	strace $0x80000048  }
0xb3: {  	_ =	swait.ge [sflag:s29], $0x1  }
0xb4: {  	[sflag:s29] =	ssyncadd.s32 $0xFFFFFFFF  }
0xb5: {  	_ =	strace $0x90000048  }
0xb6: {  	_ =	sfence  }
0xb7: {  	s30 =	sld [smem:$0x0];
	_ =	sdelay $0x2  }
0xb8: {  	s31 =	sshll.u32 s1, $0xD;
	s1 =	sshrl.u32 s1, $0x2  }
0xb9: {  	s3 =	sand.u32 $0x4000, s31;
	s1 =	sadd.s32 s1, s30  }
0xba: {  	s0 =	sor.u32 s3, s0;
	s1 =	sshll.u32 s1, $0x11  }
0xbb: {  	s0 =	sor.u32 s1, s0  }
0xbc: {  	s0 =	sadd.s32 $0x8F2B, s0  }
0xbd: {  	[sflag:s0] =	ssyncadd.remote.s32 $0x1  }
0xbe: {  	_ =	sfence.sel $0xFFFF  }
0xbf: {  	[dreg:$0x0] =	wrdreg $0xFFFFFFFF;
	(pc) =	sbr.abs _section_cstart, $3  }
0xc0: {  	[dreg:$0x1] =	wrdreg $0xFFFFFFFF  }
0xc1: {  	_ =	task.clear_ibuf [dreg:s6], $0x2FFFF;
	_ =	strace $0x9FFFFFFF  }
0xc2: {  	(tm) =	ssettm $0x7FFFFFFF  }
0xc3: {  	_ =	shalt  }
tec
execute0_lowered:
.L_overlay_start_1:
0x0: {  	(tag) =	ssettag $0x1  }
0x1: {  	s0 =	rddreg [dreg:$0x0]  }
0x2: {  	s1 =	rddreg [dreg:$0x1]  }
0x3: {  	s2 =	simm.s32 $0x0;
	s3 =	srdreg.scid;
	s8 =	stileid.u32  }
0x4: {  	s16 =	simm.s32 $0x2780;
	s17 =	simm.s32 $0x80;
	s18 =	simm.s32 $0x6700  }
0x5: {  	s20 =	simm.s32 $0x7F00;
	s22 =	simm.s32 $0x9700;
	s24 =	simm.s32 $0xAF00  }
0x6: {  	s28 =	simm.s32 $0x1;
	s31 =	simm.s32 $0x3;
	s21 =	simm.s32 $0x2  }
0x7: {  	s30 =	simm.s32 $0x4;
	s29 =	simm.s32 $0x4E00;
	[smem:$0x7FF] =	sst s2  }
0x8: {  	s3 =	sand.u32 $0x1, s3;
	s10 =	smul.u32 $0x7800, s8;
	s9 =	sadd.s32 $0x10A00, s0  }
0x9: {  	s12 =	sshll.u32 s8, $0x4;
	_ =	strace $0x80000047;
	s4 =	sshll.u32 s3, $0x4  }
0xa: {  	s5 =	ssub.s32 $0x2, s3;
	s3 =	smul.u32 $0x78000, s3;
	s12 =	sadd.s32 s12, s9  }
0xb: {  	s14 =	sor.u32 s8, s4;
	s4 =	sadd.s32 $0x1E00, s0;
	s6 =	sshrl.u32 s5, $0x1  }
0xc: {  	s0 =	sadd.s32 $0x24400, s0;
	s11 =	sadd.s32 $0x4800, s10;
	s7 =	smul.u32 $0x2700, s14  }
0xd: {  	s13 =	ssub.s32 s5, s6;
	s5 =	sadd.s32 s10, s1;
	s15 =	sadd.s32 s10, s3  }
0xe: {  	s3 =	sadd.s32 s3, s11;
	s10 =	sadd.s32 $0x13840, s12;
	p0 =	sgt.u32 s14, $0x3  }
0xf: {  	s14 =	simm.s32 $0x4F00;
	s26 =	sshrl.u32 s15, $0x3;
	s3 =	sshrl.u32 s3, $0x3  }
0x10: {  	s13 =	smax.u32 s13, $0x1;
	s15 =	simm.s32 $0x5;
	s25 =	sshrl.u32 s7, $0x3  }
0x11: {  	s7 =	sadd.s32 s11, s1;
	s11 =	sadd.s32 s0, s26;
	s26 =	simm.s32 $0xC700  }
0x12: {  	s6 =	sadd.s32 s9, s25;
	s9 =	sadd.s32 $0x9C00, s12;
	s12 =	sadd.s32 s0, s3  }
0x13: {  	v0 =	vimm.f32 $0.0e+00;
	s25 =	simm.s32 $0x4D80;
	s0 =	simm.s32 $0x0;
	s8 =	sadd.s32 $0x9C40, s6  }
.LBB2_1:
0x14: {  	s3 =	simm.s32 $0xC0;
	s19 =	simm.s32 $0x0  }
.LBB2_2:
0x15: {  	p1 =	sne.s32 s3, $0x11F40;
	[tilespmem:s19+$0x4F20] =	vst v0;
	s23 =	smov.u32 s3;
	s3 =	sadd.s32 $0xC0, s3  }
.Ltmp0:
0x16: {  	[tilespmem:s19+$0x4F00] =	vst v0;
	(pc) =	sbr.rel @p1 .LBB2_2-.Ltmp0, $2  }
0x17: {  	[tilespmem:s19+$0x4F10] =	vst v0;
	_ =	sdelay $0x2  }
0x18: {  	s19 =	sshra.s32 s23, $0x2  }
0x19: {  	[tilespmem:s19+$0x4F20] =	vst v0  }
0x1a: {  	[tilespmem:s19+$0x4F00] =	vst v0  }
0x1b: {  	[tilespmem:s19+$0x4F10] =	vst v0  }
0x1c: {  	[spmem:s5] =	stream.linear.scatter [tilespmem:s14], [sflag:$0x5], $0x4800, $0x38;
	[tilespmem:$0x15700] =	vst v63  }
0x1d: {  	_ =	swait.ge [sflag:s15], $0x4800  }
0x1e: {  	[sflag:s15] =	ssyncset.done $0x0  }
0x1f: {  	[sflag:s15] =	ssyncadd.s32 $0xFFFFB800  }
0x20: {  	[spmem:s7] =	stream.linear.scatter [tilespmem:s14], [sflag:$0x5], $0x3000, $0x38;
	[tilespmem:$0x15700] =	vst v63  }
0x21: {  	_ =	swait.ge [sflag:s15], $0x3000  }
0x22: {  	[sflag:s15] =	ssyncset.done $0x0  }
0x23: {  	[sflag:s15] =	ssyncadd.s32 $0xFFFFD000  }
0x24: {  	[tilespmem:s2], [sflag:$0x5] =	stream.linear.gather [hbm4b:s6+s2], $0x2700, $0x38;
	[tilespmem:$0x15700] =	vst v63  }
0x25: {  	_ =	swait.ge [sflag:s15], $0x2700  }
0x26: {  	[sflag:s15] =	ssyncset.done $0x0  }
0x27: {  	[sflag:s15] =	ssyncadd.s32 $0xFFFFD900  }
0x28: {  	[tilespmem:s16], [sflag:$0x5] =	stream.linear.gather [hbm4b:s8+s2], $0x2700, $0x38;
	[tilespmem:$0x15700] =	vst v63  }
0x29: {  	_ =	swait.ge [sflag:s15], $0x2700  }
0x2a: {  	[sflag:s15] =	ssyncset.done $0x0  }
0x2b: {  	s3 =	simm.s32 @!p0 $0x0;
	s19 =	simm.s32 @!p0 $0x2700;
	[sflag:s15] =	ssyncadd.s32 $0xFFFFD900  }
0x2c: {  	[tilespmem:s19], [sflag:$0x5] =	stream.linear.gather @!p0 [hbm4b:s9+s3], $0x80, $0x38;
	[tilespmem:$0x15700] =	vst v63  }
0x2d: {  	s19 =	simm.s32 @!p0 $0x5  }
0x2e: {  	_ =	swait.ge @!p0 [sflag:s19], $0x80  }
0x2f: {  	[sflag:s19] =	ssyncset.done @!p0 $0x0  }
0x30: {  	s23 =	simm.s32 @!p0 $0x4E80;
	[sflag:s19] =	ssyncadd.s32 @!p0 $0xFFFFFF80  }
0x31: {  	[tilespmem:s23], [sflag:$0x5] =	stream.linear.gather @!p0 [hbm4b:s10+s3], $0x80, $0x38;
	[tilespmem:$0x15700] =	vst v63  }
0x32: {  	_ =	swait.ge @!p0 [sflag:s19], $0x80  }
0x33: {  	[sflag:s19] =	ssyncset.done @!p0 $0x0  }
0x34: {  	[sflag:s19] =	ssyncadd.s32 @!p0 $0xFFFFFF80  }
0x35: {  	s19 =	simm.s32 $0x0;
	[bflag:$0x0] =	sbarrier.arrive $0xFFFF  }
0x36: {  	[tilespmem:s14], [sflag:$0x1] =	stream.indirect.gather [hbm4b:s4+s17], $0x30, s19, s17, $0xb8;
	[tilespmem:$0x15700] =	vst v63  }
0x37: {  	_ = 	snop  }
0x38: {  	[tilespmem:s18], [sflag:$0x1] =	stream.indirect.gather [hbm4b:s4+s17], $0x30, s17, s17, $0xb8;
	[tilespmem:$0x15700] =	vst v63  }
0x39: {  	s23 =	simm.s32 $0x100  }
0x3a: {  	[tilespmem:s20], [sflag:$0x1] =	stream.indirect.gather [hbm4b:s4+s17], $0x30, s23, s17, $0xb8;
	[tilespmem:$0x15700] =	vst v63  }
0x3b: {  	s19 =	simm.s32 $0x180  }
0x3c: {  	[tilespmem:s22], [sflag:$0x2] =	stream.indirect.gather [hbm4b:s4+s17], $0x30, s19, s17, $0xb8;
	[tilespmem:$0x15700] =	vst v63  }
0x3d: {  	s23 =	simm.s32 $0x200  }
0x3e: {  	[tilespmem:s24], [sflag:$0x2] =	stream.indirect.gather [hbm4b:s4+s17], $0x30, s23, s17, $0xb8;
	[tilespmem:$0x15700] =	vst v63  }
0x3f: {  	s19 =	simm.s32 $0x280  }
0x40: {  	[tilespmem:s26], [sflag:$0x2] =	stream.indirect.gather [hbm4b:s4+s17], $0x30, s19, s17, $0xb8;
	[tilespmem:$0x15700] =	vst v63  }
0x41: {  	_ =	swait.ge [sflag:s28], $0x1800  }
0x42: {  	[sflag:s28] =	ssyncset.done $0x0  }
0x43: {  	[sflag:s28] =	ssyncadd.s32 $0xFFFFE800  }
0x44: {  	_ =	swait.ge [sflag:s28], $0x1800  }
0x45: {  	[sflag:s28] =	ssyncset.done $0x0  }
0x46: {  	[sflag:s28] =	ssyncadd.s32 $0xFFFFE800  }
0x47: {  	_ =	swait.ge [sflag:s28], $0x1800  }
0x48: {  	[sflag:s28] =	ssyncset.done $0x0  }
0x49: {  	[sflag:s28] =	ssyncadd.s32 $0xFFFFE800  }
0x4a: {  	[spmem:s1] =	stream.indirect.scatter.add.f32 [tilespmem:s14], [sflag:$0x3], $0x30, s16, s17, $0xb8;
	[tilespmem:$0x15700] =	vst v63  }
0x4b: {  	s23 =	simm.s32 $0x2800  }
0x4c: {  	[spmem:s1] =	stream.indirect.scatter.add.f32 [tilespmem:s18], [sflag:$0x3], $0x30, s23, s17, $0xb8;
	[tilespmem:$0x15700] =	vst v63  }
0x4d: {  	s19 =	simm.s32 $0x2880  }
0x4e: {  	[spmem:s1] =	stream.indirect.scatter.add.f32 [tilespmem:s20], [sflag:$0x3], $0x30, s19, s17, $0xb8;
	[tilespmem:$0x15700] =	vst v63  }
0x4f: {  	_ =	swait.ge [sflag:s31], $0x1800  }
0x50: {  	[sflag:s31] =	ssyncset.done $0x0  }
0x51: {  	[sflag:s31] =	ssyncadd.s32 $0xFFFFE800  }
0x52: {  	_ =	swait.ge [sflag:s31], $0x1800  }
0x53: {  	[sflag:s31] =	ssyncset.done $0x0  }
0x54: {  	[sflag:s31] =	ssyncadd.s32 $0xFFFFE800  }
0x55: {  	_ =	swait.ge [sflag:s31], $0x1800  }
0x56: {  	[sflag:s31] =	ssyncset.done $0x0  }
0x57: {  	s23 =	simm.s32 $0x300;
	[sflag:s31] =	ssyncadd.s32 $0xFFFFE800  }
0x58: {  	[tilespmem:s14], [sflag:$0x1] =	stream.indirect.gather [hbm4b:s4+s17], $0x30, s23, s17, $0xb8;
	[tilespmem:$0x15700] =	vst v63  }
0x59: {  	s19 =	simm.s32 $0x380  }
0x5a: {  	[tilespmem:s18], [sflag:$0x1] =	stream.indirect.gather [hbm4b:s4+s17], $0x30, s19, s17, $0xb8;
	[tilespmem:$0x15700] =	vst v63  }
0x5b: {  	s23 =	simm.s32 $0x400  }
0x5c: {  	[tilespmem:s20], [sflag:$0x1] =	stream.indirect.gather [hbm4b:s4+s17], $0x30, s23, s17, $0xb8;
	[tilespmem:$0x15700] =	vst v63  }
0x5d: {  	_ =	swait.ge [sflag:s21], $0x1800  }
0x5e: {  	[sflag:s21] =	ssyncset.done $0x0  }
0x5f: {  	[sflag:s21] =	ssyncadd.s32 $0xFFFFE800  }
0x60: {  	_ =	swait.ge [sflag:s21], $0x1800  }
0x61: {  	[sflag:s21] =	ssyncset.done $0x0  }
0x62: {  	[sflag:s21] =	ssyncadd.s32 $0xFFFFE800  }
0x63: {  	_ =	swait.ge [sflag:s21], $0x1800  }
0x64: {  	[sflag:s21] =	ssyncset.done $0x0  }
0x65: {  	s19 =	simm.s32 $0x2900;
	[sflag:s21] =	ssyncadd.s32 $0xFFFFE800  }
0x66: {  	[spmem:s1] =	stream.indirect.scatter.add.f32 [tilespmem:s22], [sflag:$0x4], $0x30, s19, s17, $0xb8;
	[tilespmem:$0x15700] =	vst v63  }
0x67: {  	s23 =	simm.s32 $0x2980  }
0x68: {  	[spmem:s1] =	stream.indirect.scatter.add.f32 [tilespmem:s24], [sflag:$0x4], $0x30, s23, s17, $0xb8;
	[tilespmem:$0x15700] =	vst v63  }
0x69: {  	s19 =	simm.s32 $0x2A00  }
0x6a: {  	[spmem:s1] =	stream.indirect.scatter.add.f32 [tilespmem:s26], [sflag:$0x4], $0x30, s19, s17, $0xb8;
	[tilespmem:$0x15700] =	vst v63  }
0x6b: {  	_ =	swait.ge [sflag:s30], $0x1800  }
0x6c: {  	[sflag:s30] =	ssyncset.done $0x0  }
0x6d: {  	[sflag:s30] =	ssyncadd.s32 $0xFFFFE800  }
0x6e: {  	_ =	swait.ge [sflag:s30], $0x1800  }
0x6f: {  	[sflag:s30] =	ssyncset.done $0x0  }
0x70: {  	[sflag:s30] =	ssyncadd.s32 $0xFFFFE800  }
0x71: {  	_ =	swait.ge [sflag:s30], $0x1800  }
0x72: {  	[sflag:s30] =	ssyncset.done $0x0  }
0x73: {  	s23 =	simm.s32 $0x480;
	[sflag:s30] =	ssyncadd.s32 $0xFFFFE800  }
0x74: {  	[tilespmem:s22], [sflag:$0x2] =	stream.indirect.gather [hbm4b:s4+s17], $0x30, s23, s17, $0xb8;
	[tilespmem:$0x15700] =	vst v63  }
0x75: {  	s19 =	simm.s32 $0x500  }
0x76: {  	[tilespmem:s24], [sflag:$0x2] =	stream.indirect.gather [hbm4b:s4+s17], $0x30, s19, s17, $0xb8;
	[tilespmem:$0x15700] =	vst v63  }
0x77: {  	s23 =	simm.s32 $0x580  }
0x78: {  	[tilespmem:s26], [sflag:$0x2] =	stream.indirect.gather [hbm4b:s4+s17], $0x30, s23, s17, $0xb8;
	[tilespmem:$0x15700] =	vst v63  }
0x79: {  	_ =	swait.ge [sflag:s28], $0x1800  }
0x7a: {  	[sflag:s28] =	ssyncset.done $0x0  }
0x7b: {  	[sflag:s28] =	ssyncadd.s32 $0xFFFFE800  }
0x7c: {  	_ =	swait.ge [sflag:s28], $0x1800  }
0x7d: {  	[sflag:s28] =	ssyncset.done $0x0  }
0x7e: {  	[sflag:s28] =	ssyncadd.s32 $0xFFFFE800  }
0x7f: {  	_ =	swait.ge [sflag:s28], $0x1800  }
0x80: {  	[sflag:s28] =	ssyncset.done $0x0  }
0x81: {  	s19 =	simm.s32 $0x2A80;
	[sflag:s28] =	ssyncadd.s32 $0xFFFFE800  }
0x82: {  	[spmem:s1] =	stream.indirect.scatter.add.f32 [tilespmem:s14], [sflag:$0x3], $0x30, s19, s17, $0xb8;
	[tilespmem:$0x15700] =	vst v63  }
0x83: {  	s23 =	simm.s32 $0x2B00  }
0x84: {  	[spmem:s1] =	stream.indirect.scatter.add.f32 [tilespmem:s18], [sflag:$0x3], $0x30, s23, s17, $0xb8;
	[tilespmem:$0x15700] =	vst v63  }
0x85: {  	s19 =	simm.s32 $0x2B80  }
0x86: {  	[spmem:s1] =	stream.indirect.scatter.add.f32 [tilespmem:s20], [sflag:$0x3], $0x30, s19, s17, $0xb8;
	[tilespmem:$0x15700] =	vst v63  }
0x87: {  	_ =	swait.ge [sflag:s31], $0x1800  }
0x88: {  	[sflag:s31] =	ssyncset.done $0x0  }
0x89: {  	[sflag:s31] =	ssyncadd.s32 $0xFFFFE800  }
0x8a: {  	_ =	swait.ge [sflag:s31], $0x1800  }
0x8b: {  	[sflag:s31] =	ssyncset.done $0x0  }
0x8c: {  	[sflag:s31] =	ssyncadd.s32 $0xFFFFE800  }
0x8d: {  	_ =	swait.ge [sflag:s31], $0x1800  }
0x8e: {  	[sflag:s31] =	ssyncset.done $0x0  }
0x8f: {  	s23 =	simm.s32 $0x600;
	[sflag:s31] =	ssyncadd.s32 $0xFFFFE800  }
0x90: {  	[tilespmem:s14], [sflag:$0x1] =	stream.indirect.gather [hbm4b:s4+s17], $0x30, s23, s17, $0xb8;
	[tilespmem:$0x15700] =	vst v63  }
0x91: {  	s19 =	simm.s32 $0x680  }
0x92: {  	[tilespmem:s18], [sflag:$0x1] =	stream.indirect.gather [hbm4b:s4+s17], $0x30, s19, s17, $0xb8;
	[tilespmem:$0x15700] =	vst v63  }
0x93: {  	s23 =	simm.s32 $0x700  }
0x94: {  	[tilespmem:s20], [sflag:$0x1] =	stream.indirect.gather [hbm4b:s4+s17], $0x30, s23, s17, $0xb8;
	[tilespmem:$0x15700] =	vst v63  }
0x95: {  	_ =	swait.ge [sflag:s21], $0x1800  }
0x96: {  	[sflag:s21] =	ssyncset.done $0x0  }
0x97: {  	[sflag:s21] =	ssyncadd.s32 $0xFFFFE800  }
0x98: {  	_ =	swait.ge [sflag:s21], $0x1800  }
0x99: {  	[sflag:s21] =	ssyncset.done $0x0  }
0x9a: {  	[sflag:s21] =	ssyncadd.s32 $0xFFFFE800  }
0x9b: {  	_ =	swait.ge [sflag:s21], $0x1800  }
0x9c: {  	[sflag:s21] =	ssyncset.done $0x0  }
0x9d: {  	s19 =	simm.s32 $0x2C00;
	[sflag:s21] =	ssyncadd.s32 $0xFFFFE800  }
0x9e: {  	[spmem:s1] =	stream.indirect.scatter.add.f32 [tilespmem:s22], [sflag:$0x4], $0x30, s19, s17, $0xb8;
	[tilespmem:$0x15700] =	vst v63  }
0x9f: {  	s3 =	simm.s32 $0xC00;
	s23 =	simm.s32 $0x2C80;
	s19 =	simm.s32 $0x2D00  }
0xa0: {  	[spmem:s1] =	stream.indirect.scatter.add.f32 [tilespmem:s24], [sflag:$0x4], $0x30, s23, s17, $0xb8;
	[tilespmem:$0x15700] =	vst v63  }
.LBB2_4:
0xa1: {  	[spmem:s1] =	stream.indirect.scatter.add.f32 [tilespmem:s26], [sflag:$0x4], $0x30, s19, s17, $0xb8;
	[tilespmem:$0x15700] =	vst v63  }
0xa2: {  	s19 =	smov.u32 s3;
	s3 =	sadd.s32 $0xC00, s3;
	_ =	swait.ge [sflag:s30], $0x1800  }
0xa3: {  	p1 =	sne.s32 s3, $0x8400;
	[sflag:s30] =	ssyncset.done $0x0  }
0xa4: {  	[sflag:s30] =	ssyncadd.s32 $0xFFFFE800  }
0xa5: {  	_ =	swait.ge [sflag:s30], $0x1800  }
0xa6: {  	[sflag:s30] =	ssyncset.done $0x0  }
0xa7: {  	[sflag:s30] =	ssyncadd.s32 $0xFFFFE800  }
0xa8: {  	_ =	swait.ge [sflag:s30], $0x1800  }
0xa9: {  	s19 =	sshra.s32 s19, $0x2;
	[sflag:s30] =	ssyncset.done $0x0  }
0xaa: {  	s23 =	sadd.s32 $0x480, s19;
	[sflag:s30] =	ssyncadd.s32 $0xFFFFE800  }
0xab: {  	[tilespmem:s22], [sflag:$0x2] =	stream.indirect.gather [hbm4b:s4+s17], $0x30, s23, s17, $0xb8;
	[tilespmem:$0x15700] =	vst v63  }
0xac: {  	s23 =	sadd.s32 $0x500, s19  }
0xad: {  	[tilespmem:s24], [sflag:$0x2] =	stream.indirect.gather [hbm4b:s4+s17], $0x30, s23, s17, $0xb8;
	[tilespmem:$0x15700] =	vst v63  }
0xae: {  	s23 =	sadd.s32 $0x580, s19  }
0xaf: {  	[tilespmem:s26], [sflag:$0x2] =	stream.indirect.gather [hbm4b:s4+s17], $0x30, s23, s17, $0xb8;
	[tilespmem:$0x15700] =	vst v63  }
0xb0: {  	_ =	swait.ge [sflag:s28], $0x1800  }
0xb1: {  	[sflag:s28] =	ssyncset.done $0x0  }
0xb2: {  	[sflag:s28] =	ssyncadd.s32 $0xFFFFE800  }
0xb3: {  	_ =	swait.ge [sflag:s28], $0x1800  }
0xb4: {  	[sflag:s28] =	ssyncset.done $0x0  }
0xb5: {  	[sflag:s28] =	ssyncadd.s32 $0xFFFFE800  }
0xb6: {  	_ =	swait.ge [sflag:s28], $0x1800  }
0xb7: {  	[sflag:s28] =	ssyncset.done $0x0  }
0xb8: {  	s23 =	sadd.s32 $0x2A80, s19;
	[sflag:s28] =	ssyncadd.s32 $0xFFFFE800  }
0xb9: {  	[spmem:s1] =	stream.indirect.scatter.add.f32 [tilespmem:s14], [sflag:$0x3], $0x30, s23, s17, $0xb8;
	[tilespmem:$0x15700] =	vst v63  }
0xba: {  	s23 =	sadd.s32 $0x2B00, s19  }
0xbb: {  	[spmem:s1] =	stream.indirect.scatter.add.f32 [tilespmem:s18], [sflag:$0x3], $0x30, s23, s17, $0xb8;
	[tilespmem:$0x15700] =	vst v63  }
0xbc: {  	s23 =	sadd.s32 $0x2B80, s19  }
0xbd: {  	[spmem:s1] =	stream.indirect.scatter.add.f32 [tilespmem:s20], [sflag:$0x3], $0x30, s23, s17, $0xb8;
	[tilespmem:$0x15700] =	vst v63  }
0xbe: {  	_ =	swait.ge [sflag:s31], $0x1800  }
0xbf: {  	[sflag:s31] =	ssyncset.done $0x0  }
0xc0: {  	[sflag:s31] =	ssyncadd.s32 $0xFFFFE800  }
0xc1: {  	_ =	swait.ge [sflag:s31], $0x1800  }
0xc2: {  	[sflag:s31] =	ssyncset.done $0x0  }
0xc3: {  	[sflag:s31] =	ssyncadd.s32 $0xFFFFE800  }
0xc4: {  	_ =	swait.ge [sflag:s31], $0x1800  }
0xc5: {  	[sflag:s31] =	ssyncset.done $0x0  }
0xc6: {  	s23 =	sadd.s32 $0x600, s19;
	[sflag:s31] =	ssyncadd.s32 $0xFFFFE800  }
0xc7: {  	[tilespmem:s14], [sflag:$0x1] =	stream.indirect.gather [hbm4b:s4+s17], $0x30, s23, s17, $0xb8;
	[tilespmem:$0x15700] =	vst v63  }
0xc8: {  	s23 =	sadd.s32 $0x680, s19  }
0xc9: {  	[tilespmem:s18], [sflag:$0x1] =	stream.indirect.gather [hbm4b:s4+s17], $0x30, s23, s17, $0xb8;
	[tilespmem:$0x15700] =	vst v63  }
0xca: {  	s23 =	sadd.s32 $0x700, s19  }
0xcb: {  	[tilespmem:s20], [sflag:$0x1] =	stream.indirect.gather [hbm4b:s4+s17], $0x30, s23, s17, $0xb8;
	[tilespmem:$0x15700] =	vst v63  }
0xcc: {  	_ =	swait.ge [sflag:s21], $0x1800  }
0xcd: {  	[sflag:s21] =	ssyncset.done $0x0  }
0xce: {  	[sflag:s21] =	ssyncadd.s32 $0xFFFFE800  }
0xcf: {  	_ =	swait.ge [sflag:s21], $0x1800  }
0xd0: {  	[sflag:s21] =	ssyncset.done $0x0  }
0xd1: {  	[sflag:s21] =	ssyncadd.s32 $0xFFFFE800  }
0xd2: {  	_ =	swait.ge [sflag:s21], $0x1800  }
0xd3: {  	[sflag:s21] =	ssyncset.done $0x0  }
.Ltmp1:
0xd4: {  	s23 =	sadd.s32 $0x2C00, s19;
	[sflag:s21] =	ssyncadd.s32 $0xFFFFE800;
	(pc) =	sbr.rel @p1 .LBB2_4-.Ltmp1, $4  }
0xd5: {  	[spmem:s1] =	stream.indirect.scatter.add.f32 [tilespmem:s22], [sflag:$0x4], $0x30, s23, s17, $0xb8;
	[tilespmem:$0x15700] =	vst v63  }
0xd6: {  	s23 =	sadd.s32 $0x2C80, s19  }
0xd7: {  	[spmem:s1] =	stream.indirect.scatter.add.f32 [tilespmem:s24], [sflag:$0x4], $0x30, s23, s17, $0xb8;
	[tilespmem:$0x15700] =	vst v63  }
0xd8: {  	s19 =	sadd.s32 $0x2D00, s19  }
0xd9: {  	[spmem:s1] =	stream.indirect.scatter.add.f32 [tilespmem:s26], [sflag:$0x4], $0x30, s19, s17, $0xb8;
	[tilespmem:$0x15700] =	vst v63  }
0xda: {  	_ =	swait.ge [sflag:s30], $0x1800  }
0xdb: {  	[sflag:s30] =	ssyncset.done $0x0  }
0xdc: {  	[sflag:s30] =	ssyncadd.s32 $0xFFFFE800  }
0xdd: {  	_ =	swait.ge [sflag:s30], $0x1800  }
0xde: {  	[sflag:s30] =	ssyncset.done $0x0  }
0xdf: {  	[sflag:s30] =	ssyncadd.s32 $0xFFFFE800  }
0xe0: {  	_ =	swait.ge [sflag:s30], $0x1800  }
0xe1: {  	[sflag:s30] =	ssyncset.done $0x0  }
0xe2: {  	s23 =	simm.s32 $0x2580;
	[sflag:s30] =	ssyncadd.s32 $0xFFFFE800  }
0xe3: {  	[tilespmem:s22], [sflag:$0x2] =	stream.indirect.gather [hbm4b:s4+s17], $0x30, s23, s17, $0xb8;
	[tilespmem:$0x15700] =	vst v63  }
0xe4: {  	s23 =	simm.s32 $0x2600  }
0xe5: {  	[tilespmem:s24], [sflag:$0x2] =	stream.indirect.gather [hbm4b:s4+s17], $0x30, s23, s17, $0xb8;
	[tilespmem:$0x15700] =	vst v63  }
0xe6: {  	s23 =	simm.s32 $0x2680  }
0xe7: {  	[tilespmem:s26], [sflag:$0x2] =	stream.indirect.gather [hbm4b:s4+s17], $0x30, s23, s17, $0xb8;
	[tilespmem:$0x15700] =	vst v63  }
0xe8: {  	_ =	swait.ge [sflag:s28], $0x1800  }
0xe9: {  	[sflag:s28] =	ssyncset.done $0x0  }
0xea: {  	[sflag:s28] =	ssyncadd.s32 $0xFFFFE800  }
0xeb: {  	_ =	swait.ge [sflag:s28], $0x1800  }
0xec: {  	[sflag:s28] =	ssyncset.done $0x0  }
0xed: {  	[sflag:s28] =	ssyncadd.s32 $0xFFFFE800  }
0xee: {  	_ =	swait.ge [sflag:s28], $0x1800  }
0xef: {  	s3 =	sshra.s32 s3, $0x2;
	[sflag:s28] =	ssyncset.done $0x0  }
0xf0: {  	s23 =	sadd.s32 $0x2A80, s3;
	[sflag:s28] =	ssyncadd.s32 $0xFFFFE800  }
0xf1: {  	[spmem:s1] =	stream.indirect.scatter.add.f32 [tilespmem:s14], [sflag:$0x3], $0x30, s23, s17, $0xb8;
	[tilespmem:$0x15700] =	vst v63  }
0xf2: {  	s23 =	sadd.s32 $0x2B00, s3  }
0xf3: {  	[spmem:s1] =	stream.indirect.scatter.add.f32 [tilespmem:s18], [sflag:$0x3], $0x30, s23, s17, $0xb8;
	[tilespmem:$0x15700] =	vst v63  }
0xf4: {  	s3 =	sadd.s32 $0x2B80, s3  }
0xf5: {  	[spmem:s1] =	stream.indirect.scatter.add.f32 [tilespmem:s20], [sflag:$0x3], $0x30, s3, s17, $0xb8;
	[tilespmem:$0x15700] =	vst v63  }
0xf6: {  	_ =	swait.ge [sflag:s31], $0x1800  }
0xf7: {  	[sflag:s31] =	ssyncset.done $0x0  }
0xf8: {  	[sflag:s31] =	ssyncadd.s32 $0xFFFFE800  }
0xf9: {  	_ =	swait.ge [sflag:s31], $0x1800  }
0xfa: {  	[sflag:s31] =	ssyncset.done $0x0  }
0xfb: {  	[sflag:s31] =	ssyncadd.s32 $0xFFFFE800  }
0xfc: {  	_ =	swait.ge [sflag:s31], $0x1800  }
0xfd: {  	[sflag:s31] =	ssyncset.done $0x0  }
0xfe: {  	[sflag:s31] =	ssyncadd.s32 $0xFFFFE800  }
0xff: {  	_ =	swait.ge [sflag:s21], $0x1800  }
0x100: {  	[sflag:s21] =	ssyncset.done $0x0  }
0x101: {  	[sflag:s21] =	ssyncadd.s32 $0xFFFFE800  }
0x102: {  	_ =	swait.ge [sflag:s21], $0x1800  }
0x103: {  	[sflag:s21] =	ssyncset.done $0x0  }
0x104: {  	[sflag:s21] =	ssyncadd.s32 $0xFFFFE800  }
0x105: {  	_ =	swait.ge [sflag:s21], $0x1800  }
0x106: {  	[sflag:s21] =	ssyncset.done $0x0  }
0x107: {  	s23 =	simm.s32 $0x4D00;
	[sflag:s21] =	ssyncadd.s32 $0xFFFFE800  }
0x108: {  	[spmem:s1] =	stream.indirect.scatter.add.f32 [tilespmem:s22], [sflag:$0x4], $0x30, s23, s17, $0xb8;
	[tilespmem:$0x15700] =	vst v63  }
0x109: {  	_ = 	snop  }
0x10a: {  	[spmem:s1] =	stream.indirect.scatter.add.f32 [tilespmem:s24], [sflag:$0x4], $0x30, s25, s17, $0xb8;
	[tilespmem:$0x15700] =	vst v63  }
0x10b: {  	_ = 	snop  }
0x10c: {  	[spmem:s1] =	stream.indirect.scatter.add.f32 [tilespmem:s26], [sflag:$0x4], $0x30, s29, s17, $0xb8;
	[tilespmem:$0x15700] =	vst v63  }
0x10d: {  	_ =	swait.ge [sflag:s30], $0x1800  }
0x10e: {  	[sflag:s30] =	ssyncset.done $0x0  }
0x10f: {  	[sflag:s30] =	ssyncadd.s32 $0xFFFFE800  }
0x110: {  	_ =	swait.ge [sflag:s30], $0x1800  }
0x111: {  	[sflag:s30] =	ssyncset.done $0x0  }
0x112: {  	[sflag:s30] =	ssyncadd.s32 $0xFFFFE800  }
0x113: {  	_ =	swait.ge [sflag:s30], $0x1800  }
0x114: {  	s19 =	simm.s32 @!p0 $0x2700;
	[sflag:s30] =	ssyncset.done $0x0  }
0x115: {  	s3 =	simm.s32 @!p0 $0x80;
	s23 =	simm.s32 @!p0 $0x4F00;
	[sflag:s30] =	ssyncadd.s32 $0xFFFFE800  }
0x116: {  	[tilespmem:s23], [sflag:$0x1] =	stream.indirect.gather @!p0 [hbm4b:s4+s3], $0x30, s19, s3, $0xb8;
	[tilespmem:$0x15700] =	vst v63  }
0x117: {  	s19 =	simm.s32 @!p0 $0x1  }
0x118: {  	_ =	swait.ge @!p0 [sflag:s19], $0x1800  }
0x119: {  	[sflag:s19] =	ssyncset.done @!p0 $0x0  }
0x11a: {  	[sflag:s19] =	ssyncadd.s32 @!p0 $0xFFFFE800;
	s19 =	simm.s32 @!p0 $0x4E80  }
0x11b: {  	[spmem:s1] =	stream.indirect.scatter.add.f32 @!p0 [tilespmem:s23], [sflag:$0x3], $0x30, s19, s3, $0xb8;
	[tilespmem:$0x15700] =	vst v63  }
0x11c: {  	s3 =	simm.s32 @!p0 $0x3  }
0x11d: {  	_ =	swait.ge @!p0 [sflag:s3], $0x1800  }
0x11e: {  	[sflag:s3] =	ssyncset.done @!p0 $0x0  }
0x11f: {  	[sflag:s3] =	ssyncadd.s32 @!p0 $0xFFFFE800  }
0x120: {  	[bflag:$0x0] =	sbarrier.arrive $0xFFFF  }
0x121: {  	[tilespmem:s14], [sflag:$0x5] =	stream.linear.gather [spmem:s5], $0x4800, $0x38;
	[tilespmem:$0x15700] =	vst v63  }
0x122: {  	_ =	swait.ge [sflag:s15], $0x4800  }
0x123: {  	[sflag:s15] =	ssyncset.done $0x0  }
0x124: {  	[sflag:s15] =	ssyncadd.s32 $0xFFFFB800  }
0x125: {  	[hbm4b:s11+s2] =	stream.linear.scatter [tilespmem:s14], [sflag:$0x5], $0x4800, $0x38;
	[tilespmem:$0x15700] =	vst v63  }
0x126: {  	_ =	swait.ge [sflag:s15], $0x4800  }
0x127: {  	[sflag:s15] =	ssyncset.done $0x0  }
0x128: {  	[sflag:s15] =	ssyncadd.s32 $0xFFFFB800  }
0x129: {  	[tilespmem:s22], [sflag:$0x5] =	stream.linear.gather [spmem:s7], $0x3000, $0x38;
	[tilespmem:$0x15700] =	vst v63  }
0x12a: {  	s0 =	sadd.s32 $0x1, s0;
	_ =	swait.ge [sflag:s15], $0x3000  }
0x12b: {  	p1 =	sne.s32 s0, s13;
	[sflag:s15] =	ssyncset.done $0x0  }
.Ltmp2:
0x12c: {  	[sflag:s15] =	ssyncadd.s32 $0xFFFFD000;
	(pc) =	sbr.rel @p1 .LBB2_1-.Ltmp2, $4  }
0x12d: {  	[hbm4b:s12+s2] =	stream.linear.scatter [tilespmem:s22], [sflag:$0x5], $0x3000, $0x38;
	[tilespmem:$0x15700] =	vst v63  }
0x12e: {  	_ =	swait.ge [sflag:s15], $0x3000  }
0x12f: {  	[sflag:s15] =	ssyncset.done $0x0  }
0x130: {  	[sflag:s15] =	ssyncadd.s32 $0xFFFFD000  }
0x131: {  	_ =	sfence.sel $0x180000  }
0x132: {  	[bflag:$0x0] =	sbarrier.arrive $0xFFFF  }
0x133: {  	_ =	strace $0x90000047  }
0x134: {  	s0 =	stileid.u32;
	[bflag:$0x2] =	sbarrier.arrive $0xFFFF  }
0x135: {  	p0 =	sne.s32 s0, $0x0;
	s0 =	rddreg [dreg:$0x2]  }
0x136: {  	s0 =	sadd.s32 @!p0 $0x100000, s0  }
0x137: {  	[sflag:s0] =	ssyncadd.tile.s32 @!p0 $0x1;
	_ =	shalt  }
.Lfunc_end2:
_tile_overlayer_lowered:
.L_overlay_start_2:
0x138: {  	(tag) =	ssettag $0x2  }
0x139: {  	s0 =	rddreg [dreg:$0x0];
	s2 =	stileid.u32  }
0x13a: {  	s1 =	rddreg [dreg:$0x1];
	p0 =	sne.s32 s2, $0x0  }
0x13b: {  	s3 =	rddreg [dreg:$0x2];
	[bflag:$0x3] =	sbarrier.arrive $0xFFFF;
	s2 =	simm.s32 @!p0 $0x1C05  }
0x13c: {  	[timem:s3], [sflag:s2] =	dma.local @!p0 [hbm:s0], s1  }
0x13d: {  	s0 =	simm.s32 @!p0 $0x5  }
0x13e: {  	_ =	swait.ge @!p0 [sflag:s0], s1  }
0x13f: {  	s1 =	ssub.s32 @!p0 $0x0, s1;
	[sflag:s0] =	ssyncset.done @!p0 $0x0  }
0x140: {  	[sflag:s0] =	ssyncadd.s32 @!p0 s1  }
0x141: {  	[bflag:$0x3] =	sbarrier.arrive $0xFFFF  }
0x142: {  	_ =	shalt  }

</sc_bundles>
